<compile_context>
chip_gen: v7x
topology: tpu7x:2x2x1
jax: 0.10.2.dev20260603
libtpu: 0.0.44.dev20260713+nightly
codegen_flags: <defaults>
</compile_context>

<pallas_src>
import functools

import jax
import jax.numpy as jnp
from jax import lax
from jax.experimental import pallas as pl
from jax.experimental.pallas import tpu as pltpu
from jax.experimental.pallas import tpu_sc as plsc

BATCH = 16384
FACTORS = 32
NUM_USERS = 1000000
NUM_ITEMS = 100000

_BKC = 16384
_BKR = _BKC // 4
_SHC = 14
_SHR = 12

_INFO = plsc.get_sparse_core_info()
_NC = _INFO.num_cores
_NS = _INFO.num_subcores
_NW = _NC * _NS
_BPW = BATCH // _NW
_CHUNK = 128
_NCHUNK = _BPW // _CHUNK
_L = _INFO.num_lanes


def _repack_body(in_ref, o_ref):
    r = lax.broadcasted_iota(jnp.int32, (FACTORS, 128), 0)
    c = lax.broadcasted_iota(jnp.int32, (FACTORS, 128), 1)
    x = in_ref[...].astype(jnp.bfloat16)
    acc = None
    for k in range(4):
        eye_k = jnp.where((c - 32 * k) == r, 1.0, 0.0).astype(jnp.bfloat16)
        part = lax.dot_general(
            x[:, _BKR * k:_BKR * (k + 1)], eye_k,
            (((0,), (0,)), ((), ())),
            preferred_element_type=jnp.float32)
        acc = part if acc is None else acc + part
    o_ref[...] = acc


def _repack(table_t, n_rows):
    grid = -(-n_rows // _BKC)
    return pl.pallas_call(
        _repack_body,
        grid=(grid,),
        in_specs=[pl.BlockSpec((FACTORS, _BKC), lambda i: (0, i))],
        out_specs=pl.BlockSpec((_BKR, 128), lambda i: (i, 0)),
        out_shape=jax.ShapeDtypeStruct((grid * _BKR, 128), jnp.float32),
        compiler_params=pltpu.CompilerParams(
            fuse_transposed_lhs_in_matmul=True),
    )(table_t)


def _sc_gather_packed(user_idx, item_idx, up, ip):
    mesh = plsc.VectorSubcoreMesh(core_axis_name="c", subcore_axis_name="s")

    @functools.partial(
        pl.kernel,
        mesh=mesh,
        out_type=[
            jax.ShapeDtypeStruct((BATCH, 128), jnp.float32),
            jax.ShapeDtypeStruct((BATCH, 128), jnp.float32),
        ],
        scratch_types=[
            pltpu.VMEM((_BPW,), jnp.int32),
            pltpu.VMEM((_BPW,), jnp.int32),
            pltpu.VMEM((_CHUNK, 128), jnp.float32),
            pltpu.VMEM((_CHUNK, 128), jnp.float32),
            pltpu.VMEM((_CHUNK, 128), jnp.float32),
            pltpu.VMEM((_CHUNK, 128), jnp.float32),
            pltpu.SemaphoreType.DMA,
            pltpu.SemaphoreType.DMA,
        ],
    )
    def k(uidx_hbm, iidx_hbm, up_hbm, ip_hbm, u_out, v_out,
          uj_v, ij_v, ub0, ub1, ib0, ib1, gsem, wsem):
        wid = lax.axis_index("s") * _NC + lax.axis_index("c")
        base = wid * _BPW
        pltpu.sync_copy(uidx_hbm.at[pl.ds(base, _BPW)], uj_v)
        pltpu.sync_copy(iidx_hbm.at[pl.ds(base, _BPW)], ij_v)
        for i in range(_BPW // _L):
            sl = pl.ds(i * _L, _L)
            u = uj_v[sl]
            uj_v[sl] = (lax.shift_left(lax.shift_right_logical(u, _SHC), _SHR)
                        + (u & (_BKR - 1)))
            v = ij_v[sl]
            ij_v[sl] = (lax.shift_left(lax.shift_right_logical(v, _SHC), _SHR)
                        + (v & (_BKR - 1)))
        ubufs, ibufs = (ub0, ub1), (ib0, ib1)
        uwb = [None, None]
        iwb = [None, None]
        for c in range(_NCHUNK):
            sl = pl.ds(c * _CHUNK, _CHUNK)
            b = c % 2
            if uwb[b] is not None:
                uwb[b].wait()
                iwb[b].wait()
            gu = pltpu.async_copy(up_hbm.at[uj_v.at[sl]], ubufs[b], gsem)
            gi = pltpu.async_copy(ip_hbm.at[ij_v.at[sl]], ibufs[b], gsem)
            gu.wait()
            gi.wait()
            osl = pl.ds(base + c * _CHUNK, _CHUNK)
            uwb[b] = pltpu.async_copy(ubufs[b], u_out.at[osl], wsem)
            iwb[b] = pltpu.async_copy(ibufs[b], v_out.at[osl], wsem)
        for b in range(2):
            if uwb[b] is not None:
                uwb[b].wait()
                iwb[b].wait()

    return k(user_idx, item_idx, up, ip)


_BM = 2048
_G = BATCH // _BM


def _mask_groups(x128, sel):
    cg = lax.broadcasted_iota(jnp.int32, (1, 128), 1) >> 5
    return jnp.where(cg == sel, x128, 0.0).astype(jnp.bfloat16)


def _mlp_body(u_ref, v_ref, uidx_ref, iidx_ref, w1u_ref, w1v_ref, b1_ref,
              w2_ref, b2_ref, w3_ref, b3_ref, w4_ref, b4_ref, o_ref):
    f32 = jnp.float32
    usel = (uidx_ref[...] >> _SHR) & 3
    isel = (iidx_ref[...] >> _SHR) & 3
    u = _mask_groups(u_ref[...], usel)
    v = _mask_groups(v_ref[...], isel)
    h = (jnp.dot(u, w1u_ref[...], preferred_element_type=f32)
         + jnp.dot(v, w1v_ref[...], preferred_element_type=f32)
         + b1_ref[...])
    h = jnp.maximum(h, 0.0).astype(jnp.bfloat16)
    h = jnp.dot(h, w2_ref[...], preferred_element_type=f32) + b2_ref[...]
    h = jnp.maximum(h, 0.0).astype(jnp.bfloat16)
    h = jnp.dot(h, w3_ref[...], preferred_element_type=f32) + b3_ref[...]
    h = jnp.maximum(h, 0.0)
    s = jnp.sum(h * w4_ref[...], axis=1, keepdims=True) + b4_ref[...]
    o_ref[...] = jax.nn.sigmoid(s)


def _mlp(u128, v128, uidx2, iidx2, W1, b1, W2, b2, W3, b3, W4, b4):
    bf16 = jnp.bfloat16
    w1u = jnp.concatenate([W1[:FACTORS]] * 4, axis=0).astype(bf16)
    w1v = jnp.concatenate([W1[FACTORS:]] * 4, axis=0).astype(bf16)
    out = pl.pallas_call(
        _mlp_body,
        grid=(_G,),
        in_specs=[
            pl.BlockSpec((_BM, 128), lambda i: (i, 0)),
            pl.BlockSpec((_BM, 128), lambda i: (i, 0)),
            pl.BlockSpec((_BM, 1), lambda i: (i, 0)),
            pl.BlockSpec((_BM, 1), lambda i: (i, 0)),
            pl.BlockSpec((128, 64), lambda i: (0, 0)),
            pl.BlockSpec((128, 64), lambda i: (0, 0)),
            pl.BlockSpec((1, 64), lambda i: (0, 0)),
            pl.BlockSpec((64, 32), lambda i: (0, 0)),
            pl.BlockSpec((1, 32), lambda i: (0, 0)),
            pl.BlockSpec((32, 16), lambda i: (0, 0)),
            pl.BlockSpec((1, 16), lambda i: (0, 0)),
            pl.BlockSpec((1, 16), lambda i: (0, 0)),
            pl.BlockSpec((1, 1), lambda i: (0, 0)),
        ],
        out_specs=pl.BlockSpec((_BM, 1), lambda i: (i, 0)),
        out_shape=jax.ShapeDtypeStruct((BATCH, 1), jnp.float32),
    )(u128, v128, uidx2, iidx2, w1u, w1v, b1.reshape(1, 64),
      W2.astype(bf16), b2.reshape(1, 32), W3.astype(bf16), b3.reshape(1, 16),
      W4.reshape(1, 16), b4.reshape(1, 1))
    return jnp.squeeze(out, axis=-1)


def kernel(user_input, item_input, user_emb, item_emb,
           W1, b1, W2, b2, W3, b3, W4, b4):
    up = _repack(user_emb.T, NUM_USERS)
    ip = _repack(item_emb.T, NUM_ITEMS)
    u128, v128 = _sc_gather_packed(user_input, item_input, up, ip)
    uidx2 = user_input.reshape(BATCH, 1)
    iidx2 = item_input.reshape(BATCH, 1)
    return _mlp(u128, v128, uidx2, iidx2, W1, b1, W2, b2, W3, b3, W4, b4)

# --- scband reference (transcript-rebuilt; emitter-appended) ---
"""Pipeline reference for scband-ncf-23733989277926 (READ-ONLY COPY).

The authoritative reference and input builder live on the scoring server;
editing this copy changes nothing except your own understanding.
"""

import jax, jax.numpy as jnp
import numpy as np

NUM_USERS = 1000000
NUM_ITEMS = 100000
FACTORS = 32
BATCH = 16384


def setup_inputs(seed: int = 0) -> dict:
    key = jax.random.key(seed)
    ks = jax.random.split(key, 12)
    user_input = jax.random.randint(ks[0], (BATCH,), 0, NUM_USERS, dtype=jnp.int64 if jax.config.jax_enable_x64 else jnp.int32).astype(jnp.int32)
    item_input = jax.random.randint(ks[1], (BATCH,), 0, NUM_ITEMS, dtype=jnp.int32)
    user_emb = jax.random.normal(ks[2], (NUM_USERS, FACTORS), dtype=jnp.float32) * 0.02
    item_emb = jax.random.normal(ks[3], (NUM_ITEMS, FACTORS), dtype=jnp.float32) * 0.02
    W1 = jax.random.normal(ks[4], (FACTORS * 2, 64), dtype=jnp.float32) * 0.05
    b1 = jnp.zeros((64,), dtype=jnp.float32)
    W2 = jax.random.normal(ks[5], (64, 32), dtype=jnp.float32) * 0.05
    b2 = jnp.zeros((32,), dtype=jnp.float32)
    W3 = jax.random.normal(ks[6], (32, 16), dtype=jnp.float32) * 0.05
    b3 = jnp.zeros((16,), dtype=jnp.float32)
    W4 = jax.random.normal(ks[7], (16, 1), dtype=jnp.float32) * 0.05
    b4 = jnp.zeros((1,), dtype=jnp.float32)
    return {
        "user_input": user_input,
        "item_input": item_input,
        "user_emb": user_emb,
        "item_emb": item_emb,
        "W1": W1, "b1": b1,
        "W2": W2, "b2": b2,
        "W3": W3, "b3": b3,
        "W4": W4, "b4": b4,
    }


def reference(user_input, item_input, user_emb, item_emb, W1, b1, W2, b2, W3, b3, W4, b4):
    # Embedding lookups (SparseCore gather)
    u = jnp.take(user_emb, user_input, axis=0)
    v = jnp.take(item_emb, item_input, axis=0)
    x = jnp.concatenate([u, v], axis=-1)
    # fc_layers[:-1] with ReLU after each
    x = jax.nn.relu(x @ W1 + b1)
    x = jax.nn.relu(x @ W2 + b2)
    x = jax.nn.relu(x @ W3 + b3)
    # final linear, no relu
    x = x @ W4 + b4
    out = jax.nn.sigmoid(x)
    return jnp.squeeze(out)

if __name__ == "__main__":
    import jax
    _d = setup_inputs()
    print(jax.jit(kernel)(*tuple(_d.values())))

</pallas_src>

<mosaic_0001>
#map = affine_map<(d0, d1) -> (0)>
#map1 = affine_map<(d0, d1) -> (0, 0)>
module attributes {stable_mosaic.version = 14 : i64} {
  func.func @k(%arg0: i32, %arg1: i32, %arg2: memref<16384xi32, #tpu.memory_space<hbm>>, %arg3: memref<16384xi32, #tpu.memory_space<hbm>>, %arg4: memref<253952x128xf32, #tpu.memory_space<hbm>>, %arg5: memref<28672x128xf32, #tpu.memory_space<hbm>>, %arg6: memref<16384x128xf32, #tpu.memory_space<hbm>>, %arg7: memref<16384x128xf32, #tpu.memory_space<hbm>>, %arg8: memref<512xi32, #tpu.memory_space<vmem>>, %arg9: memref<512xi32, #tpu.memory_space<vmem>>, %arg10: memref<128x128xf32, #tpu.memory_space<vmem>>, %arg11: memref<128x128xf32, #tpu.memory_space<vmem>>, %arg12: memref<128x128xf32, #tpu.memory_space<vmem>>, %arg13: memref<128x128xf32, #tpu.memory_space<vmem>>, %arg14: memref<!tpu.dma_semaphore, #tpu.memory_space<semaphore_mem>>, %arg15: memref<!tpu.dma_semaphore, #tpu.memory_space<semaphore_mem>>) attributes {dimension_semantics = [#tpu.dimension_semantics<core_parallel>, #tpu.dimension_semantics<subcore_parallel>], iteration_bounds = array<i64: 2, 16>, scalar_prefetch = 0 : i64, scratch_operands = 8 : i64, tpu.core_type = #tpu.core_type<sc_vector_subcore>, window_params = [{transform_indices = #map}, {transform_indices = #map}, {transform_indices = #map1}, {transform_indices = #map1}, {transform_indices = #map1}, {transform_indices = #map1}]} {
    %mul3A = arith.constant 2 : i32
    %mul3A_0 = arith.muli %arg1, %mul3A : i32
    %add3A = arith.addi %mul3A_0, %arg0 : i32
    %mul3A_1 = arith.constant 512 : i32
    %mul3A_2 = arith.muli %add3A, %mul3A_1 : i32
    "tpu.region"() ({
      %run_scoped3A = tpu.sem_alloc : memref<!tpu.dma_semaphore, #tpu.memory_space<semaphore_mem>>
      %dma_start3A_1236 = tpu.memref_slice %arg2[%mul3A_2] : memref<16384xi32, #tpu.memory_space<hbm>> -> memref<512xi32, #tpu.memory_space<hbm>>
      %dma_start3A_1237 = tpu.memref_slice %arg2[%mul3A_2] : memref<16384xi32, #tpu.memory_space<hbm>> -> memref<512xi32, #tpu.memory_space<hbm>>
      tpu.enqueue_dma source(%dma_start3A_1237 : memref<512xi32, #tpu.memory_space<hbm>>) target(%arg8 : memref<512xi32, #tpu.memory_space<vmem>>) target_semaphore(%run_scoped3A : memref<!tpu.dma_semaphore, #tpu.memory_space<semaphore_mem>>)
      %dma_wait3A_1238 = tpu.memref_slice %arg2[%mul3A_2] : memref<16384xi32, #tpu.memory_space<hbm>> -> memref<512xi32, #tpu.memory_space<hbm>>
      %dma_wait3A_1239 = tpu.memref_slice %arg2[%mul3A_2] : memref<16384xi32, #tpu.memory_space<hbm>> -> memref<512xi32, #tpu.memory_space<hbm>>
      tpu.wait_dma2 semaphore(%run_scoped3A : memref<!tpu.dma_semaphore, #tpu.memory_space<semaphore_mem>>) src(%dma_wait3A_1239 : memref<512xi32, #tpu.memory_space<hbm>>) dst(%arg8 : memref<512xi32, #tpu.memory_space<vmem>>)
      tpu.yield
    }) : () -> ()
    "tpu.region"() ({
      %run_scoped3A = tpu.sem_alloc : memref<!tpu.dma_semaphore, #tpu.memory_space<semaphore_mem>>
      %dma_start3A_1236 = tpu.memref_slice %arg3[%mul3A_2] : memref<16384xi32, #tpu.memory_space<hbm>> -> memref<512xi32, #tpu.memory_space<hbm>>
      %dma_start3A_1237 = tpu.memref_slice %arg3[%mul3A_2] : memref<16384xi32, #tpu.memory_space<hbm>> -> memref<512xi32, #tpu.memory_space<hbm>>
      tpu.enqueue_dma source(%dma_start3A_1237 : memref<512xi32, #tpu.memory_space<hbm>>) target(%arg9 : memref<512xi32, #tpu.memory_space<vmem>>) target_semaphore(%run_scoped3A : memref<!tpu.dma_semaphore, #tpu.memory_space<semaphore_mem>>)
      %dma_wait3A_1238 = tpu.memref_slice %arg3[%mul3A_2] : memref<16384xi32, #tpu.memory_space<hbm>> -> memref<512xi32, #tpu.memory_space<hbm>>
      %dma_wait3A_1239 = tpu.memref_slice %arg3[%mul3A_2] : memref<16384xi32, #tpu.memory_space<hbm>> -> memref<512xi32, #tpu.memory_space<hbm>>
      tpu.wait_dma2 semaphore(%run_scoped3A : memref<!tpu.dma_semaphore, #tpu.memory_space<semaphore_mem>>) src(%dma_wait3A_1239 : memref<512xi32, #tpu.memory_space<hbm>>) dst(%arg9 : memref<512xi32, #tpu.memory_space<vmem>>)
      tpu.yield
    }) : () -> ()
    %get3A = arith.constant 0 : index
    %get3A_3 = tpu.vector_load %arg8[%get3A] {strides = array<i32>} : memref<512xi32, #tpu.memory_space<vmem>>, vector<16xi32>,
    %get3A_4 = vector.shape_cast %get3A_3 : vector<16xi32> to vector<16xi32>
    %shift_right_logical3A = arith.constant 14 : i32
    %shift_right_logical3A_5 = vector.broadcast %shift_right_logical3A : i32 to vector<16xi32>
    %shift_right_logical3A_6 = arith.shrui %get3A_4, %shift_right_logical3A_5 : vector<16xi32>
    %shift_left3A = arith.constant 12 : i32
    %shift_left3A_7 = vector.broadcast %shift_left3A : i32 to vector<16xi32>
    %shift_left3A_8 = arith.shli %shift_right_logical3A_6, %shift_left3A_7 : vector<16xi32>
    %and3A = arith.constant 4095 : i32
    %and3A_9 = vector.broadcast %and3A : i32 to vector<16xi32>
    %and3A_10 = arith.andi %get3A_4, %and3A_9 : vector<16xi32>
    %add3A_11 = arith.addi %shift_left3A_8, %and3A_10 : vector<16xi32>
    %swap3A = arith.constant 0 : index
    %swap3A_12 = tpu.vector_load %arg8[%swap3A] {strides = array<i32>} : memref<512xi32, #tpu.memory_space<vmem>>, vector<16xi32>,
    %swap3A_13 = vector.shape_cast %swap3A_12 : vector<16xi32> to vector<16xi32>
    %swap3A_14 = vector.shape_cast %add3A_11 : vector<16xi32> to vector<16xi32>
    tpu.vector_store %arg8[%swap3A], %swap3A_14 {strides = array<i32>} : memref<512xi32, #tpu.memory_space<vmem>>, vector<16xi32>,
    %get3A_15 = arith.constant 0 : index
    %get3A_16 = tpu.vector_load %arg9[%get3A_15] {strides = array<i32>} : memref<512xi32, #tpu.memory_space<vmem>>, vector<16xi32>,
    %get3A_17 = vector.shape_cast %get3A_16 : vector<16xi32> to vector<16xi32>
    %shift_right_logical3A_18 = arith.constant 14 : i32
    %shift_right_logical3A_19 = vector.broadcast %shift_right_logical3A_18 : i32 to vector<16xi32>
    %shift_right_logical3A_20 = arith.shrui %get3A_17, %shift_right_logical3A_19 : vector<16xi32>
    %shift_left3A_21 = arith.constant 12 : i32
    %shift_left3A_22 = vector.broadcast %shift_left3A_21 : i32 to vector<16xi32>
    %shift_left3A_23 = arith.shli %shift_right_logical3A_20, %shift_left3A_22 : vector<16xi32>
    %and3A_24 = arith.constant 4095 : i32
    %and3A_25 = vector.broadcast %and3A_24 : i32 to vector<16xi32>
    %and3A_26 = arith.andi %get3A_17, %and3A_25 : vector<16xi32>
    %add3A_27 = arith.addi %shift_left3A_23, %and3A_26 : vector<16xi32>
    %swap3A_28 = arith.constant 0 : index
    %swap3A_29 = tpu.vector_load %arg9[%swap3A_28] {strides = array<i32>} : memref<512xi32, #tpu.memory_space<vmem>>, vector<16xi32>,
    %swap3A_30 = vector.shape_cast %swap3A_29 : vector<16xi32> to vector<16xi32>
    %swap3A_31 = vector.shape_cast %add3A_27 : vector<16xi32> to vector<16xi32>
    tpu.vector_store %arg9[%swap3A_28], %swap3A_31 {strides = array<i32>} : memref<512xi32, #tpu.memory_space<vmem>>, vector<16xi32>,
    %get3A_32 = arith.constant 16 : index
    %get3A_33 = tpu.vector_load %arg8[%get3A_32] {strides = array<i32>} : memref<512xi32, #tpu.memory_space<vmem>>, vector<16xi32>,
    %get3A_34 = vector.shape_cast %get3A_33 : vector<16xi32> to vector<16xi32>
    %shift_right_logical3A_35 = arith.constant 14 : i32
    %shift_right_logical3A_36 = vector.broadcast %shift_right_logical3A_35 : i32 to vector<16xi32>
    %shift_right_logical3A_37 = arith.shrui %get3A_34, %shift_right_logical3A_36 : vector<16xi32>
    %shift_left3A_38 = arith.constant 12 : i32
    %shift_left3A_39 = vector.broadcast %shift_left3A_38 : i32 to vector<16xi32>
    %shift_left3A_40 = arith.shli %shift_right_logical3A_37, %shift_left3A_39 : vector<16xi32>
    %and3A_41 = arith.constant 4095 : i32
    %and3A_42 = vector.broadcast %and3A_41 : i32 to vector<16xi32>
    %and3A_43 = arith.andi %get3A_34, %and3A_42 : vector<16xi32>
    %add3A_44 = arith.addi %shift_left3A_40, %and3A_43 : vector<16xi32>
    %swap3A_45 = arith.constant 16 : index
    %swap3A_46 = tpu.vector_load %arg8[%swap3A_45] {strides = array<i32>} : memref<512xi32, #tpu.memory_space<vmem>>, vector<16xi32>,
    %swap3A_47 = vector.shape_cast %swap3A_46 : vector<16xi32> to vector<16xi32>
    %swap3A_48 = vector.shape_cast %add3A_44 : vector<16xi32> to vector<16xi32>
    tpu.vector_store %arg8[%swap3A_45], %swap3A_48 {strides = array<i32>} : memref<512xi32, #tpu.memory_space<vmem>>, vector<16xi32>,
    %get3A_49 = arith.constant 16 : index
    %get3A_50 = tpu.vector_load %arg9[%get3A_49] {strides = array<i32>} : memref<512xi32, #tpu.memory_space<vmem>>, vector<16xi32>,
    %get3A_51 = vector.shape_cast %get3A_50 : vector<16xi32> to vector<16xi32>
    %shift_right_logical3A_52 = arith.constant 14 : i32
    %shift_right_logical3A_53 = vector.broadcast %shift_right_logical3A_52 : i32 to vector<16xi32>
    %shift_right_logical3A_54 = arith.shrui %get3A_51, %shift_right_logical3A_53 : vector<16xi32>
    %shift_left3A_55 = arith.constant 12 : i32
    %shift_left3A_56 = vector.broadcast %shift_left3A_55 : i32 to vector<16xi32>
    %shift_left3A_57 = arith.shli %shift_right_logical3A_54, %shift_left3A_56 : vector<16xi32>
    %and3A_58 = arith.constant 4095 : i32
    %and3A_59 = vector.broadcast %and3A_58 : i32 to vector<16xi32>
    %and3A_60 = arith.andi %get3A_51, %and3A_59 : vector<16xi32>
    %add3A_61 = arith.addi %shift_left3A_57, %and3A_60 : vector<16xi32>
    %swap3A_62 = arith.constant 16 : index
    %swap3A_63 = tpu.vector_load %arg9[%swap3A_62] {strides = array<i32>} : memref<512xi32, #tpu.memory_space<vmem>>, vector<16xi32>,
    %swap3A_64 = vector.shape_cast %swap3A_63 : vector<16xi32> to vector<16xi32>
    %swap3A_65 = vector.shape_cast %add3A_61 : vector<16xi32> to vector<16xi32>
    tpu.vector_store %arg9[%swap3A_62], %swap3A_65 {strides = array<i32>} : memref<512xi32, #tpu.memory_space<vmem>>, vector<16xi32>,
    %get3A_66 = arith.constant 32 : index
    %get3A_67 = tpu.vector_load %arg8[%get3A_66] {strides = array<i32>} : memref<512xi32, #tpu.memory_space<vmem>>, vector<16xi32>,
    %get3A_68 = vector.shape_cast %get3A_67 : vector<16xi32> to vector<16xi32>
    %shift_right_logical3A_69 = arith.constant 14 : i32
    %shift_right_logical3A_70 = vector.broadcast %shift_right_logical3A_69 : i32 to vector<16xi32>
    %shift_right_logical3A_71 = arith.shrui %get3A_68, %shift_right_logical3A_70 : vector<16xi32>
    %shift_left3A_72 = arith.constant 12 : i32
    %shift_left3A_73 = vector.broadcast %shift_left3A_72 : i32 to vector<16xi32>
    %shift_left3A_74 = arith.shli %shift_right_logical3A_71, %shift_left3A_73 : vector<16xi32>
    %and3A_75 = arith.constant 4095 : i32
    %and3A_76 = vector.broadcast %and3A_75 : i32 to vector<16xi32>
    %and3A_77 = arith.andi %get3A_68, %and3A_76 : vector<16xi32>
    %add3A_78 = arith.addi %shift_left3A_74, %and3A_77 : vector<16xi32>
    %swap3A_79 = arith.constant 32 : index
    %swap3A_80 = tpu.vector_load %arg8[%swap3A_79] {strides = array<i32>} : memref<512xi32, #tpu.memory_space<vmem>>, vector<16xi32>,
    %swap3A_81 = vector.shape_cast %swap3A_80 : vector<16xi32> to vector<16xi32>
    %swap3A_82 = vector.shape_cast %add3A_78 : vector<16xi32> to vector<16xi32>
    tpu.vector_store %arg8[%swap3A_79], %swap3A_82 {strides = array<i32>} : memref<512xi32, #tpu.memory_space<vmem>>, vector<16xi32>,
    %get3A_83 = arith.constant 32 : index
    %get3A_84 = tpu.vector_load %arg9[%get3A_83] {strides = array<i32>} : memref<512xi32, #tpu.memory_space<vmem>>, vector<16xi32>,
    %get3A_85 = vector.shape_cast %get3A_84 : vector<16xi32> to vector<16xi32>
    %shift_right_logical3A_86 = arith.constant 14 : i32
    %shift_right_logical3A_87 = vector.broadcast %shift_right_logical3A_86 : i32 to vector<16xi32>
    %shift_right_logical3A_88 = arith.shrui %get3A_85, %shift_right_logical3A_87 : vector<16xi32>
    %shift_left3A_89 = arith.constant 12 : i32
    %shift_left3A_90 = vector.broadcast %shift_left3A_89 : i32 to vector<16xi32>
    %shift_left3A_91 = arith.shli %shift_right_logical3A_88, %shift_left3A_90 : vector<16xi32>
    %and3A_92 = arith.constant 4095 : i32
    %and3A_93 = vector.broadcast %and3A_92 : i32 to vector<16xi32>
    %and3A_94 = arith.andi %get3A_85, %and3A_93 : vector<16xi32>
    %add3A_95 = arith.addi %shift_left3A_91, %and3A_94 : vector<16xi32>
    %swap3A_96 = arith.constant 32 : index
    %swap3A_97 = tpu.vector_load %arg9[%swap3A_96] {strides = array<i32>} : memref<512xi32, #tpu.memory_space<vmem>>, vector<16xi32>,
    %swap3A_98 = vector.shape_cast %swap3A_97 : vector<16xi32> to vector<16xi32>
    %swap3A_99 = vector.shape_cast %add3A_95 : vector<16xi32> to vector<16xi32>
    tpu.vector_store %arg9[%swap3A_96], %swap3A_99 {strides = array<i32>} : memref<512xi32, #tpu.memory_space<vmem>>, vector<16xi32>,
    %get3A_100 = arith.constant 48 : index
    %get3A_101 = tpu.vector_load %arg8[%get3A_100] {strides = array<i32>} : memref<512xi32, #tpu.memory_space<vmem>>, vector<16xi32>,
    %get3A_102 = vector.shape_cast %get3A_101 : vector<16xi32> to vector<16xi32>
    %shift_right_logical3A_103 = arith.constant 14 : i32
    %shift_right_logical3A_104 = vector.broadcast %shift_right_logical3A_103 : i32 to vector<16xi32>
    %shift_right_logical3A_105 = arith.shrui %get3A_102, %shift_right_logical3A_104 : vector<16xi32>
    %shift_left3A_106 = arith.constant 12 : i32
    %shift_left3A_107 = vector.broadcast %shift_left3A_106 : i32 to vector<16xi32>
    %shift_left3A_108 = arith.shli %shift_right_logical3A_105, %shift_left3A_107 : vector<16xi32>
    %and3A_109 = arith.constant 4095 : i32
    %and3A_110 = vector.broadcast %and3A_109 : i32 to vector<16xi32>
    %and3A_111 = arith.andi %get3A_102, %and3A_110 : vector<16xi32>
    %add3A_112 = arith.addi %shift_left3A_108, %and3A_111 : vector<16xi32>
    %swap3A_113 = arith.constant 48 : index
    %swap3A_114 = tpu.vector_load %arg8[%swap3A_113] {strides = array<i32>} : memref<512xi32, #tpu.memory_space<vmem>>, vector<16xi32>,
    %swap3A_115 = vector.shape_cast %swap3A_114 : vector<16xi32> to vector<16xi32>
    %swap3A_116 = vector.shape_cast %add3A_112 : vector<16xi32> to vector<16xi32>
    tpu.vector_store %arg8[%swap3A_113], %swap3A_116 {strides = array<i32>} : memref<512xi32, #tpu.memory_space<vmem>>, vector<16xi32>,
    %get3A_117 = arith.constant 48 : index
    %get3A_118 = tpu.vector_load %arg9[%get3A_117] {strides = array<i32>} : memref<512xi32, #tpu.memory_space<vmem>>, vector<16xi32>,
    %get3A_119 = vector.shape_cast %get3A_118 : vector<16xi32> to vector<16xi32>
    %shift_right_logical3A_120 = arith.constant 14 : i32
    %shift_right_logical3A_121 = vector.broadcast %shift_right_logical3A_120 : i32 to vector<16xi32>
    %shift_right_logical3A_122 = arith.shrui %get3A_119, %shift_right_logical3A_121 : vector<16xi32>
    %shift_left3A_123 = arith.constant 12 : i32
    %shift_left3A_124 = vector.broadcast %shift_left3A_123 : i32 to vector<16xi32>
    %shift_left3A_125 = arith.shli %shift_right_logical3A_122, %shift_left3A_124 : vector<16xi32>
    %and3A_126 = arith.constant 4095 : i32
    %and3A_127 = vector.broadcast %and3A_126 : i32 to vector<16xi32>
    %and3A_128 = arith.andi %get3A_119, %and3A_127 : vector<16xi32>
    %add3A_129 = arith.addi %shift_left3A_125, %and3A_128 : vector<16xi32>
    %swap3A_130 = arith.constant 48 : index
    %swap3A_131 = tpu.vector_load %arg9[%swap3A_130] {strides = array<i32>} : memref<512xi32, #tpu.memory_space<vmem>>, vector<16xi32>,
    %swap3A_132 = vector.shape_cast %swap3A_131 : vector<16xi32> to vector<16xi32>
    %swap3A_133 = vector.shape_cast %add3A_129 : vector<16xi32> to vector<16xi32>
    tpu.vector_store %arg9[%swap3A_130], %swap3A_133 {strides = array<i32>} : memref<512xi32, #tpu.memory_space<vmem>>, vector<16xi32>,
    %get3A_134 = arith.constant 64 : index
    %get3A_135 = tpu.vector_load %arg8[%get3A_134] {strides = array<i32>} : memref<512xi32, #tpu.memory_space<vmem>>, vector<16xi32>,
    %get3A_136 = vector.shape_cast %get3A_135 : vector<16xi32> to vector<16xi32>
    %shift_right_logical3A_137 = arith.constant 14 : i32
    %shift_right_logical3A_138 = vector.broadcast %shift_right_logical3A_137 : i32 to vector<16xi32>
    %shift_right_logical3A_139 = arith.shrui %get3A_136, %shift_right_logical3A_138 : vector<16xi32>
    %shift_left3A_140 = arith.constant 12 : i32
    %shift_left3A_141 = vector.broadcast %shift_left3A_140 : i32 to vector<16xi32>
    %shift_left3A_142 = arith.shli %shift_right_logical3A_139, %shift_left3A_141 : vector<16xi32>
    %and3A_143 = arith.constant 4095 : i32
    %and3A_144 = vector.broadcast %and3A_143 : i32 to vector<16xi32>
    %and3A_145 = arith.andi %get3A_136, %and3A_144 : vector<16xi32>
    %add3A_146 = arith.addi %shift_left3A_142, %and3A_145 : vector<16xi32>
    %swap3A_147 = arith.constant 64 : index
    %swap3A_148 = tpu.vector_load %arg8[%swap3A_147] {strides = array<i32>} : memref<512xi32, #tpu.memory_space<vmem>>, vector<16xi32>,
    %swap3A_149 = vector.shape_cast %swap3A_148 : vector<16xi32> to vector<16xi32>
    %swap3A_150 = vector.shape_cast %add3A_146 : vector<16xi32> to vector<16xi32>
    tpu.vector_store %arg8[%swap3A_147], %swap3A_150 {strides = array<i32>} : memref<512xi32, #tpu.memory_space<vmem>>, vector<16xi32>,
    %get3A_151 = arith.constant 64 : index
    %get3A_152 = tpu.vector_load %arg9[%get3A_151] {strides = array<i32>} : memref<512xi32, #tpu.memory_space<vmem>>, vector<16xi32>,
    %get3A_153 = vector.shape_cast %get3A_152 : vector<16xi32> to vector<16xi32>
    %shift_right_logical3A_154 = arith.constant 14 : i32
    %shift_right_logical3A_155 = vector.broadcast %shift_right_logical3A_154 : i32 to vector<16xi32>
    %shift_right_logical3A_156 = arith.shrui %get3A_153, %shift_right_logical3A_155 : vector<16xi32>
    %shift_left3A_157 = arith.constant 12 : i32
    %shift_left3A_158 = vector.broadcast %shift_left3A_157 : i32 to vector<16xi32>
    %shift_left3A_159 = arith.shli %shift_right_logical3A_156, %shift_left3A_158 : vector<16xi32>
    %and3A_160 = arith.constant 4095 : i32
    %and3A_161 = vector.broadcast %and3A_160 : i32 to vector<16xi32>
    %and3A_162 = arith.andi %get3A_153, %and3A_161 : vector<16xi32>
    %add3A_163 = arith.addi %shift_left3A_159, %and3A_162 : vector<16xi32>
    %swap3A_164 = arith.constant 64 : index
    %swap3A_165 = tpu.vector_load %arg9[%swap3A_164] {strides = array<i32>} : memref<512xi32, #tpu.memory_space<vmem>>, vector<16xi32>,
    %swap3A_166 = vector.shape_cast %swap3A_165 : vector<16xi32> to vector<16xi32>
    %swap3A_167 = vector.shape_cast %add3A_163 : vector<16xi32> to vector<16xi32>
    tpu.vector_store %arg9[%swap3A_164], %swap3A_167 {strides = array<i32>} : memref<512xi32, #tpu.memory_space<vmem>>, vector<16xi32>,
    %get3A_168 = arith.constant 80 : index
    %get3A_169 = tpu.vector_load %arg8[%get3A_168] {strides = array<i32>} : memref<512xi32, #tpu.memory_space<vmem>>, vector<16xi32>,
    %get3A_170 = vector.shape_cast %get3A_169 : vector<16xi32> to vector<16xi32>
    %shift_right_logical3A_171 = arith.constant 14 : i32
    %shift_right_logical3A_172 = vector.broadcast %shift_right_logical3A_171 : i32 to vector<16xi32>
    %shift_right_logical3A_173 = arith.shrui %get3A_170, %shift_right_logical3A_172 : vector<16xi32>
    %shift_left3A_174 = arith.constant 12 : i32
    %shift_left3A_175 = vector.broadcast %shift_left3A_174 : i32 to vector<16xi32>
    %shift_left3A_176 = arith.shli %shift_right_logical3A_173, %shift_left3A_175 : vector<16xi32>
    %and3A_177 = arith.constant 4095 : i32
    %and3A_178 = vector.broadcast %and3A_177 : i32 to vector<16xi32>
    %and3A_179 = arith.andi %get3A_170, %and3A_178 : vector<16xi32>
    %add3A_180 = arith.addi %shift_left3A_176, %and3A_179 : vector<16xi32>
    %swap3A_181 = arith.constant 80 : index
    %swap3A_182 = tpu.vector_load %arg8[%swap3A_181] {strides = array<i32>} : memref<512xi32, #tpu.memory_space<vmem>>, vector<16xi32>,
    %swap3A_183 = vector.shape_cast %swap3A_182 : vector<16xi32> to vector<16xi32>
    %swap3A_184 = vector.shape_cast %add3A_180 : vector<16xi32> to vector<16xi32>
    tpu.vector_store %arg8[%swap3A_181], %swap3A_184 {strides = array<i32>} : memref<512xi32, #tpu.memory_space<vmem>>, vector<16xi32>,
    %get3A_185 = arith.constant 80 : index
    %get3A_186 = tpu.vector_load %arg9[%get3A_185] {strides = array<i32>} : memref<512xi32, #tpu.memory_space<vmem>>, vector<16xi32>,
    %get3A_187 = vector.shape_cast %get3A_186 : vector<16xi32> to vector<16xi32>
    %shift_right_logical3A_188 = arith.constant 14 : i32
    %shift_right_logical3A_189 = vector.broadcast %shift_right_logical3A_188 : i32 to vector<16xi32>
    %shift_right_logical3A_190 = arith.shrui %get3A_187, %shift_right_logical3A_189 : vector<16xi32>
    %shift_left3A_191 = arith.constant 12 : i32
    %shift_left3A_192 = vector.broadcast %shift_left3A_191 : i32 to vector<16xi32>
    %shift_left3A_193 = arith.shli %shift_right_logical3A_190, %shift_left3A_192 : vector<16xi32>
    %and3A_194 = arith.constant 4095 : i32
    %and3A_195 = vector.broadcast %and3A_194 : i32 to vector<16xi32>
    %and3A_196 = arith.andi %get3A_187, %and3A_195 : vector<16xi32>
    %add3A_197 = arith.addi %shift_left3A_193, %and3A_196 : vector<16xi32>
    %swap3A_198 = arith.constant 80 : index
    %swap3A_199 = tpu.vector_load %arg9[%swap3A_198] {strides = array<i32>} : memref<512xi32, #tpu.memory_space<vmem>>, vector<16xi32>,
    %swap3A_200 = vector.shape_cast %swap3A_199 : vector<16xi32> to vector<16xi32>
    %swap3A_201 = vector.shape_cast %add3A_197 : vector<16xi32> to vector<16xi32>
    tpu.vector_store %arg9[%swap3A_198], %swap3A_201 {strides = array<i32>} : memref<512xi32, #tpu.memory_space<vmem>>, vector<16xi32>,
    %get3A_202 = arith.constant 96 : index
    %get3A_203 = tpu.vector_load %arg8[%get3A_202] {strides = array<i32>} : memref<512xi32, #tpu.memory_space<vmem>>, vector<16xi32>,
    %get3A_204 = vector.shape_cast %get3A_203 : vector<16xi32> to vector<16xi32>
    %shift_right_logical3A_205 = arith.constant 14 : i32
    %shift_right_logical3A_206 = vector.broadcast %shift_right_logical3A_205 : i32 to vector<16xi32>
    %shift_right_logical3A_207 = arith.shrui %get3A_204, %shift_right_logical3A_206 : vector<16xi32>
    %shift_left3A_208 = arith.constant 12 : i32
    %shift_left3A_209 = vector.broadcast %shift_left3A_208 : i32 to vector<16xi32>
    %shift_left3A_210 = arith.shli %shift_right_logical3A_207, %shift_left3A_209 : vector<16xi32>
    %and3A_211 = arith.constant 4095 : i32
    %and3A_212 = vector.broadcast %and3A_211 : i32 to vector<16xi32>
    %and3A_213 = arith.andi %get3A_204, %and3A_212 : vector<16xi32>
    %add3A_214 = arith.addi %shift_left3A_210, %and3A_213 : vector<16xi32>
    %swap3A_215 = arith.constant 96 : index
    %swap3A_216 = tpu.vector_load %arg8[%swap3A_215] {strides = array<i32>} : memref<512xi32, #tpu.memory_space<vmem>>, vector<16xi32>,
    %swap3A_217 = vector.shape_cast %swap3A_216 : vector<16xi32> to vector<16xi32>
    %swap3A_218 = vector.shape_cast %add3A_214 : vector<16xi32> to vector<16xi32>
    tpu.vector_store %arg8[%swap3A_215], %swap3A_218 {strides = array<i32>} : memref<512xi32, #tpu.memory_space<vmem>>, vector<16xi32>,
    %get3A_219 = arith.constant 96 : index
    %get3A_220 = tpu.vector_load %arg9[%get3A_219] {strides = array<i32>} : memref<512xi32, #tpu.memory_space<vmem>>, vector<16xi32>,
    %get3A_221 = vector.shape_cast %get3A_220 : vector<16xi32> to vector<16xi32>
    %shift_right_logical3A_222 = arith.constant 14 : i32
    %shift_right_logical3A_223 = vector.broadcast %shift_right_logical3A_222 : i32 to vector<16xi32>
    %shift_right_logical3A_224 = arith.shrui %get3A_221, %shift_right_logical3A_223 : vector<16xi32>
    %shift_left3A_225 = arith.constant 12 : i32
    %shift_left3A_226 = vector.broadcast %shift_left3A_225 : i32 to vector<16xi32>
    %shift_left3A_227 = arith.shli %shift_right_logical3A_224, %shift_left3A_226 : vector<16xi32>
    %and3A_228 = arith.constant 4095 : i32
    %and3A_229 = vector.broadcast %and3A_228 : i32 to vector<16xi32>
    %and3A_230 = arith.andi %get3A_221, %and3A_229 : vector<16xi32>
    %add3A_231 = arith.addi %shift_left3A_227, %and3A_230 : vector<16xi32>
    %swap3A_232 = arith.constant 96 : index
    %swap3A_233 = tpu.vector_load %arg9[%swap3A_232] {strides = array<i32>} : memref<512xi32, #tpu.memory_space<vmem>>, vector<16xi32>,
    %swap3A_234 = vector.shape_cast %swap3A_233 : vector<16xi32> to vector<16xi32>
    %swap3A_235 = vector.shape_cast %add3A_231 : vector<16xi32> to vector<16xi32>
    tpu.vector_store %arg9[%swap3A_232], %swap3A_235 {strides = array<i32>} : memref<512xi32, #tpu.memory_space<vmem>>, vector<16xi32>,
    %get3A_236 = arith.constant 112 : index
    %get3A_237 = tpu.vector_load %arg8[%get3A_236] {strides = array<i32>} : memref<512xi32, #tpu.memory_space<vmem>>, vector<16xi32>,
    %get3A_238 = vector.shape_cast %get3A_237 : vector<16xi32> to vector<16xi32>
    %shift_right_logical3A_239 = arith.constant 14 : i32
    %shift_right_logical3A_240 = vector.broadcast %shift_right_logical3A_239 : i32 to vector<16xi32>
    %shift_right_logical3A_241 = arith.shrui %get3A_238, %shift_right_logical3A_240 : vector<16xi32>
    %shift_left3A_242 = arith.constant 12 : i32
    %shift_left3A_243 = vector.broadcast %shift_left3A_242 : i32 to vector<16xi32>
    %shift_left3A_244 = arith.shli %shift_right_logical3A_241, %shift_left3A_243 : vector<16xi32>
    %and3A_245 = arith.constant 4095 : i32
    %and3A_246 = vector.broadcast %and3A_245 : i32 to vector<16xi32>
    %and3A_247 = arith.andi %get3A_238, %and3A_246 : vector<16xi32>
    %add3A_248 = arith.addi %shift_left3A_244, %and3A_247 : vector<16xi32>
    %swap3A_249 = arith.constant 112 : index
    %swap3A_250 = tpu.vector_load %arg8[%swap3A_249] {strides = array<i32>} : memref<512xi32, #tpu.memory_space<vmem>>, vector<16xi32>,
    %swap3A_251 = vector.shape_cast %swap3A_250 : vector<16xi32> to vector<16xi32>
    %swap3A_252 = vector.shape_cast %add3A_248 : vector<16xi32> to vector<16xi32>
    tpu.vector_store %arg8[%swap3A_249], %swap3A_252 {strides = array<i32>} : memref<512xi32, #tpu.memory_space<vmem>>, vector<16xi32>,
    %get3A_253 = arith.constant 112 : index
    %get3A_254 = tpu.vector_load %arg9[%get3A_253] {strides = array<i32>} : memref<512xi32, #tpu.memory_space<vmem>>, vector<16xi32>,
    %get3A_255 = vector.shape_cast %get3A_254 : vector<16xi32> to vector<16xi32>
    %shift_right_logical3A_256 = arith.constant 14 : i32
    %shift_right_logical3A_257 = vector.broadcast %shift_right_logical3A_256 : i32 to vector<16xi32>
    %shift_right_logical3A_258 = arith.shrui %get3A_255, %shift_right_logical3A_257 : vector<16xi32>
    %shift_left3A_259 = arith.constant 12 : i32
    %shift_left3A_260 = vector.broadcast %shift_left3A_259 : i32 to vector<16xi32>
    %shift_left3A_261 = arith.shli %shift_right_logical3A_258, %shift_left3A_260 : vector<16xi32>
    %and3A_262 = arith.constant 4095 : i32
    %and3A_263 = vector.broadcast %and3A_262 : i32 to vector<16xi32>
    %and3A_264 = arith.andi %get3A_255, %and3A_263 : vector<16xi32>
    %add3A_265 = arith.addi %shift_left3A_261, %and3A_264 : vector<16xi32>
    %swap3A_266 = arith.constant 112 : index
    %swap3A_267 = tpu.vector_load %arg9[%swap3A_266] {strides = array<i32>} : memref<512xi32, #tpu.memory_space<vmem>>, vector<16xi32>,
    %swap3A_268 = vector.shape_cast %swap3A_267 : vector<16xi32> to vector<16xi32>
    %swap3A_269 = vector.shape_cast %add3A_265 : vector<16xi32> to vector<16xi32>
    tpu.vector_store %arg9[%swap3A_266], %swap3A_269 {strides = array<i32>} : memref<512xi32, #tpu.memory_space<vmem>>, vector<16xi32>,
    %get3A_270 = arith.constant 128 : index
    %get3A_271 = tpu.vector_load %arg8[%get3A_270] {strides = array<i32>} : memref<512xi32, #tpu.memory_space<vmem>>, vector<16xi32>,
    %get3A_272 = vector.shape_cast %get3A_271 : vector<16xi32> to vector<16xi32>
    %shift_right_logical3A_273 = arith.constant 14 : i32
    %shift_right_logical3A_274 = vector.broadcast %shift_right_logical3A_273 : i32 to vector<16xi32>
    %shift_right_logical3A_275 = arith.shrui %get3A_272, %shift_right_logical3A_274 : vector<16xi32>
    %shift_left3A_276 = arith.constant 12 : i32
    %shift_left3A_277 = vector.broadcast %shift_left3A_276 : i32 to vector<16xi32>
    %shift_left3A_278 = arith.shli %shift_right_logical3A_275, %shift_left3A_277 : vector<16xi32>
    %and3A_279 = arith.constant 4095 : i32
    %and3A_280 = vector.broadcast %and3A_279 : i32 to vector<16xi32>
    %and3A_281 = arith.andi %get3A_272, %and3A_280 : vector<16xi32>
    %add3A_282 = arith.addi %shift_left3A_278, %and3A_281 : vector<16xi32>
    %swap3A_283 = arith.constant 128 : index
    %swap3A_284 = tpu.vector_load %arg8[%swap3A_283] {strides = array<i32>} : memref<512xi32, #tpu.memory_space<vmem>>, vector<16xi32>,
    %swap3A_285 = vector.shape_cast %swap3A_284 : vector<16xi32> to vector<16xi32>
    %swap3A_286 = vector.shape_cast %add3A_282 : vector<16xi32> to vector<16xi32>
    tpu.vector_store %arg8[%swap3A_283], %swap3A_286 {strides = array<i32>} : memref<512xi32, #tpu.memory_space<vmem>>, vector<16xi32>,
    %get3A_287 = arith.constant 128 : index
    %get3A_288 = tpu.vector_load %arg9[%get3A_287] {strides = array<i32>} : memref<512xi32, #tpu.memory_space<vmem>>, vector<16xi32>,
    %get3A_289 = vector.shape_cast %get3A_288 : vector<16xi32> to vector<16xi32>
    %shift_right_logical3A_290 = arith.constant 14 : i32
    %shift_right_logical3A_291 = vector.broadcast %shift_right_logical3A_290 : i32 to vector<16xi32>
    %shift_right_logical3A_292 = arith.shrui %get3A_289, %shift_right_logical3A_291 : vector<16xi32>
    %shift_left3A_293 = arith.constant 12 : i32
    %shift_left3A_294 = vector.broadcast %shift_left3A_293 : i32 to vector<16xi32>
    %shift_left3A_295 = arith.shli %shift_right_logical3A_292, %shift_left3A_294 : vector<16xi32>
    %and3A_296 = arith.constant 4095 : i32
    %and3A_297 = vector.broadcast %and3A_296 : i32 to vector<16xi32>
    %and3A_298 = arith.andi %get3A_289, %and3A_297 : vector<16xi32>
    %add3A_299 = arith.addi %shift_left3A_295, %and3A_298 : vector<16xi32>
    %swap3A_300 = arith.constant 128 : index
    %swap3A_301 = tpu.vector_load %arg9[%swap3A_300] {strides = array<i32>} : memref<512xi32, #tpu.memory_space<vmem>>, vector<16xi32>,
    %swap3A_302 = vector.shape_cast %swap3A_301 : vector<16xi32> to vector<16xi32>
    %swap3A_303 = vector.shape_cast %add3A_299 : vector<16xi32> to vector<16xi32>
    tpu.vector_store %arg9[%swap3A_300], %swap3A_303 {strides = array<i32>} : memref<512xi32, #tpu.memory_space<vmem>>, vector<16xi32>,
    %get3A_304 = arith.constant 144 : index
    %get3A_305 = tpu.vector_load %arg8[%get3A_304] {strides = array<i32>} : memref<512xi32, #tpu.memory_space<vmem>>, vector<16xi32>,
    %get3A_306 = vector.shape_cast %get3A_305 : vector<16xi32> to vector<16xi32>
    %shift_right_logical3A_307 = arith.constant 14 : i32
    %shift_right_logical3A_308 = vector.broadcast %shift_right_logical3A_307 : i32 to vector<16xi32>
    %shift_right_logical3A_309 = arith.shrui %get3A_306, %shift_right_logical3A_308 : vector<16xi32>
    %shift_left3A_310 = arith.constant 12 : i32
    %shift_left3A_311 = vector.broadcast %shift_left3A_310 : i32 to vector<16xi32>
    %shift_left3A_312 = arith.shli %shift_right_logical3A_309, %shift_left3A_311 : vector<16xi32>
    %and3A_313 = arith.constant 4095 : i32
    %and3A_314 = vector.broadcast %and3A_313 : i32 to vector<16xi32>
    %and3A_315 = arith.andi %get3A_306, %and3A_314 : vector<16xi32>
    %add3A_316 = arith.addi %shift_left3A_312, %and3A_315 : vector<16xi32>
    %swap3A_317 = arith.constant 144 : index
    %swap3A_318 = tpu.vector_load %arg8[%swap3A_317] {strides = array<i32>} : memref<512xi32, #tpu.memory_space<vmem>>, vector<16xi32>,
    %swap3A_319 = vector.shape_cast %swap3A_318 : vector<16xi32> to vector<16xi32>
    %swap3A_320 = vector.shape_cast %add3A_316 : vector<16xi32> to vector<16xi32>
    tpu.vector_store %arg8[%swap3A_317], %swap3A_320 {strides = array<i32>} : memref<512xi32, #tpu.memory_space<vmem>>, vector<16xi32>,
    %get3A_321 = arith.constant 144 : index
    %get3A_322 = tpu.vector_load %arg9[%get3A_321] {strides = array<i32>} : memref<512xi32, #tpu.memory_space<vmem>>, vector<16xi32>,
    %get3A_323 = vector.shape_cast %get3A_322 : vector<16xi32> to vector<16xi32>
    %shift_right_logical3A_324 = arith.constant 14 : i32
    %shift_right_logical3A_325 = vector.broadcast %shift_right_logical3A_324 : i32 to vector<16xi32>
    %shift_right_logical3A_326 = arith.shrui %get3A_323, %shift_right_logical3A_325 : vector<16xi32>
    %shift_left3A_327 = arith.constant 12 : i32
    %shift_left3A_328 = vector.broadcast %shift_left3A_327 : i32 to vector<16xi32>
    %shift_left3A_329 = arith.shli %shift_right_logical3A_326, %shift_left3A_328 : vector<16xi32>
    %and3A_330 = arith.constant 4095 : i32
    %and3A_331 = vector.broadcast %and3A_330 : i32 to vector<16xi32>
    %and3A_332 = arith.andi %get3A_323, %and3A_331 : vector<16xi32>
    %add3A_333 = arith.addi %shift_left3A_329, %and3A_332 : vector<16xi32>
    %swap3A_334 = arith.constant 144 : index
    %swap3A_335 = tpu.vector_load %arg9[%swap3A_334] {strides = array<i32>} : memref<512xi32, #tpu.memory_space<vmem>>, vector<16xi32>,
    %swap3A_336 = vector.shape_cast %swap3A_335 : vector<16xi32> to vector<16xi32>
    %swap3A_337 = vector.shape_cast %add3A_333 : vector<16xi32> to vector<16xi32>
    tpu.vector_store %arg9[%swap3A_334], %swap3A_337 {strides = array<i32>} : memref<512xi32, #tpu.memory_space<vmem>>, vector<16xi32>,
    %get3A_338 = arith.constant 160 : index
    %get3A_339 = tpu.vector_load %arg8[%get3A_338] {strides = array<i32>} : memref<512xi32, #tpu.memory_space<vmem>>, vector<16xi32>,
    %get3A_340 = vector.shape_cast %get3A_339 : vector<16xi32> to vector<16xi32>
    %shift_right_logical3A_341 = arith.constant 14 : i32
    %shift_right_logical3A_342 = vector.broadcast %shift_right_logical3A_341 : i32 to vector<16xi32>
    %shift_right_logical3A_343 = arith.shrui %get3A_340, %shift_right_logical3A_342 : vector<16xi32>
    %shift_left3A_344 = arith.constant 12 : i32
    %shift_left3A_345 = vector.broadcast %shift_left3A_344 : i32 to vector<16xi32>
    %shift_left3A_346 = arith.shli %shift_right_logical3A_343, %shift_left3A_345 : vector<16xi32>
    %and3A_347 = arith.constant 4095 : i32
    %and3A_348 = vector.broadcast %and3A_347 : i32 to vector<16xi32>
    %and3A_349 = arith.andi %get3A_340, %and3A_348 : vector<16xi32>
    %add3A_350 = arith.addi %shift_left3A_346, %and3A_349 : vector<16xi32>
    %swap3A_351 = arith.constant 160 : index
    %swap3A_352 = tpu.vector_load %arg8[%swap3A_351] {strides = array<i32>} : memref<512xi32, #tpu.memory_space<vmem>>, vector<16xi32>,
    %swap3A_353 = vector.shape_cast %swap3A_352 : vector<16xi32> to vector<16xi32>
    %swap3A_354 = vector.shape_cast %add3A_350 : vector<16xi32> to vector<16xi32>
    tpu.vector_store %arg8[%swap3A_351], %swap3A_354 {strides = array<i32>} : memref<512xi32, #tpu.memory_space<vmem>>, vector<16xi32>,
    %get3A_355 = arith.constant 160 : index
    %get3A_356 = tpu.vector_load %arg9[%get3A_355] {strides = array<i32>} : memref<512xi32, #tpu.memory_space<vmem>>, vector<16xi32>,
    %get3A_357 = vector.shape_cast %get3A_356 : vector<16xi32> to vector<16xi32>
    %shift_right_logical3A_358 = arith.constant 14 : i32
    %shift_right_logical3A_359 = vector.broadcast %shift_right_logical3A_358 : i32 to vector<16xi32>
    %shift_right_logical3A_360 = arith.shrui %get3A_357, %shift_right_logical3A_359 : vector<16xi32>
    %shift_left3A_361 = arith.constant 12 : i32
    %shift_left3A_362 = vector.broadcast %shift_left3A_361 : i32 to vector<16xi32>
    %shift_left3A_363 = arith.shli %shift_right_logical3A_360, %shift_left3A_362 : vector<16xi32>
    %and3A_364 = arith.constant 4095 : i32
    %and3A_365 = vector.broadcast %and3A_364 : i32 to vector<16xi32>
    %and3A_366 = arith.andi %get3A_357, %and3A_365 : vector<16xi32>
    %add3A_367 = arith.addi %shift_left3A_363, %and3A_366 : vector<16xi32>
    %swap3A_368 = arith.constant 160 : index
    %swap3A_369 = tpu.vector_load %arg9[%swap3A_368] {strides = array<i32>} : memref<512xi32, #tpu.memory_space<vmem>>, vector<16xi32>,
    %swap3A_370 = vector.shape_cast %swap3A_369 : vector<16xi32> to vector<16xi32>
    %swap3A_371 = vector.shape_cast %add3A_367 : vector<16xi32> to vector<16xi32>
    tpu.vector_store %arg9[%swap3A_368], %swap3A_371 {strides = array<i32>} : memref<512xi32, #tpu.memory_space<vmem>>, vector<16xi32>,
    %get3A_372 = arith.constant 176 : index
    %get3A_373 = tpu.vector_load %arg8[%get3A_372] {strides = array<i32>} : memref<512xi32, #tpu.memory_space<vmem>>, vector<16xi32>,
    %get3A_374 = vector.shape_cast %get3A_373 : vector<16xi32> to vector<16xi32>
    %shift_right_logical3A_375 = arith.constant 14 : i32
    %shift_right_logical3A_376 = vector.broadcast %shift_right_logical3A_375 : i32 to vector<16xi32>
    %shift_right_logical3A_377 = arith.shrui %get3A_374, %shift_right_logical3A_376 : vector<16xi32>
    %shift_left3A_378 = arith.constant 12 : i32
    %shift_left3A_379 = vector.broadcast %shift_left3A_378 : i32 to vector<16xi32>
    %shift_left3A_380 = arith.shli %shift_right_logical3A_377, %shift_left3A_379 : vector<16xi32>
    %and3A_381 = arith.constant 4095 : i32
    %and3A_382 = vector.broadcast %and3A_381 : i32 to vector<16xi32>
    %and3A_383 = arith.andi %get3A_374, %and3A_382 : vector<16xi32>
    %add3A_384 = arith.addi %shift_left3A_380, %and3A_383 : vector<16xi32>
    %swap3A_385 = arith.constant 176 : index
    %swap3A_386 = tpu.vector_load %arg8[%swap3A_385] {strides = array<i32>} : memref<512xi32, #tpu.memory_space<vmem>>, vector<16xi32>,
    %swap3A_387 = vector.shape_cast %swap3A_386 : vector<16xi32> to vector<16xi32>
    %swap3A_388 = vector.shape_cast %add3A_384 : vector<16xi32> to vector<16xi32>
    tpu.vector_store %arg8[%swap3A_385], %swap3A_388 {strides = array<i32>} : memref<512xi32, #tpu.memory_space<vmem>>, vector<16xi32>,
    %get3A_389 = arith.constant 176 : index
    %get3A_390 = tpu.vector_load %arg9[%get3A_389] {strides = array<i32>} : memref<512xi32, #tpu.memory_space<vmem>>, vector<16xi32>,
    %get3A_391 = vector.shape_cast %get3A_390 : vector<16xi32> to vector<16xi32>
    %shift_right_logical3A_392 = arith.constant 14 : i32
    %shift_right_logical3A_393 = vector.broadcast %shift_right_logical3A_392 : i32 to vector<16xi32>
    %shift_right_logical3A_394 = arith.shrui %get3A_391, %shift_right_logical3A_393 : vector<16xi32>
    %shift_left3A_395 = arith.constant 12 : i32
    %shift_left3A_396 = vector.broadcast %shift_left3A_395 : i32 to vector<16xi32>
    %shift_left3A_397 = arith.shli %shift_right_logical3A_394, %shift_left3A_396 : vector<16xi32>
    %and3A_398 = arith.constant 4095 : i32
    %and3A_399 = vector.broadcast %and3A_398 : i32 to vector<16xi32>
    %and3A_400 = arith.andi %get3A_391, %and3A_399 : vector<16xi32>
    %add3A_401 = arith.addi %shift_left3A_397, %and3A_400 : vector<16xi32>
    %swap3A_402 = arith.constant 176 : index
    %swap3A_403 = tpu.vector_load %arg9[%swap3A_402] {strides = array<i32>} : memref<512xi32, #tpu.memory_space<vmem>>, vector<16xi32>,
    %swap3A_404 = vector.shape_cast %swap3A_403 : vector<16xi32> to vector<16xi32>
    %swap3A_405 = vector.shape_cast %add3A_401 : vector<16xi32> to vector<16xi32>
    tpu.vector_store %arg9[%swap3A_402], %swap3A_405 {strides = array<i32>} : memref<512xi32, #tpu.memory_space<vmem>>, vector<16xi32>,
    %get3A_406 = arith.constant 192 : index
    %get3A_407 = tpu.vector_load %arg8[%get3A_406] {strides = array<i32>} : memref<512xi32, #tpu.memory_space<vmem>>, vector<16xi32>,
    %get3A_408 = vector.shape_cast %get3A_407 : vector<16xi32> to vector<16xi32>
    %shift_right_logical3A_409 = arith.constant 14 : i32
    %shift_right_logical3A_410 = vector.broadcast %shift_right_logical3A_409 : i32 to vector<16xi32>
    %shift_right_logical3A_411 = arith.shrui %get3A_408, %shift_right_logical3A_410 : vector<16xi32>
    %shift_left3A_412 = arith.constant 12 : i32
    %shift_left3A_413 = vector.broadcast %shift_left3A_412 : i32 to vector<16xi32>
    %shift_left3A_414 = arith.shli %shift_right_logical3A_411, %shift_left3A_413 : vector<16xi32>
    %and3A_415 = arith.constant 4095 : i32
    %and3A_416 = vector.broadcast %and3A_415 : i32 to vector<16xi32>
    %and3A_417 = arith.andi %get3A_408, %and3A_416 : vector<16xi32>
    %add3A_418 = arith.addi %shift_left3A_414, %and3A_417 : vector<16xi32>
    %swap3A_419 = arith.constant 192 : index
    %swap3A_420 = tpu.vector_load %arg8[%swap3A_419] {strides = array<i32>} : memref<512xi32, #tpu.memory_space<vmem>>, vector<16xi32>,
    %swap3A_421 = vector.shape_cast %swap3A_420 : vector<16xi32> to vector<16xi32>
    %swap3A_422 = vector.shape_cast %add3A_418 : vector<16xi32> to vector<16xi32>
    tpu.vector_store %arg8[%swap3A_419], %swap3A_422 {strides = array<i32>} : memref<512xi32, #tpu.memory_space<vmem>>, vector<16xi32>,
    %get3A_423 = arith.constant 192 : index
    %get3A_424 = tpu.vector_load %arg9[%get3A_423] {strides = array<i32>} : memref<512xi32, #tpu.memory_space<vmem>>, vector<16xi32>,
    %get3A_425 = vector.shape_cast %get3A_424 : vector<16xi32> to vector<16xi32>
    %shift_right_logical3A_426 = arith.constant 14 : i32
    %shift_right_logical3A_427 = vector.broadcast %shift_right_logical3A_426 : i32 to vector<16xi32>
    %shift_right_logical3A_428 = arith.shrui %get3A_425, %shift_right_logical3A_427 : vector<16xi32>
    %shift_left3A_429 = arith.constant 12 : i32
    %shift_left3A_430 = vector.broadcast %shift_left3A_429 : i32 to vector<16xi32>
    %shift_left3A_431 = arith.shli %shift_right_logical3A_428, %shift_left3A_430 : vector<16xi32>
    %and3A_432 = arith.constant 4095 : i32
    %and3A_433 = vector.broadcast %and3A_432 : i32 to vector<16xi32>
    %and3A_434 = arith.andi %get3A_425, %and3A_433 : vector<16xi32>
    %add3A_435 = arith.addi %shift_left3A_431, %and3A_434 : vector<16xi32>
    %swap3A_436 = arith.constant 192 : index
    %swap3A_437 = tpu.vector_load %arg9[%swap3A_436] {strides = array<i32>} : memref<512xi32, #tpu.memory_space<vmem>>, vector<16xi32>,
    %swap3A_438 = vector.shape_cast %swap3A_437 : vector<16xi32> to vector<16xi32>
    %swap3A_439 = vector.shape_cast %add3A_435 : vector<16xi32> to vector<16xi32>
    tpu.vector_store %arg9[%swap3A_436], %swap3A_439 {strides = array<i32>} : memref<512xi32, #tpu.memory_space<vmem>>, vector<16xi32>,
    %get3A_440 = arith.constant 208 : index
    %get3A_441 = tpu.vector_load %arg8[%get3A_440] {strides = array<i32>} : memref<512xi32, #tpu.memory_space<vmem>>, vector<16xi32>,
    %get3A_442 = vector.shape_cast %get3A_441 : vector<16xi32> to vector<16xi32>
    %shift_right_logical3A_443 = arith.constant 14 : i32
    %shift_right_logical3A_444 = vector.broadcast %shift_right_logical3A_443 : i32 to vector<16xi32>
    %shift_right_logical3A_445 = arith.shrui %get3A_442, %shift_right_logical3A_444 : vector<16xi32>
    %shift_left3A_446 = arith.constant 12 : i32
    %shift_left3A_447 = vector.broadcast %shift_left3A_446 : i32 to vector<16xi32>
    %shift_left3A_448 = arith.shli %shift_right_logical3A_445, %shift_left3A_447 : vector<16xi32>
    %and3A_449 = arith.constant 4095 : i32
    %and3A_450 = vector.broadcast %and3A_449 : i32 to vector<16xi32>
    %and3A_451 = arith.andi %get3A_442, %and3A_450 : vector<16xi32>
    %add3A_452 = arith.addi %shift_left3A_448, %and3A_451 : vector<16xi32>
    %swap3A_453 = arith.constant 208 : index
    %swap3A_454 = tpu.vector_load %arg8[%swap3A_453] {strides = array<i32>} : memref<512xi32, #tpu.memory_space<vmem>>, vector<16xi32>,
    %swap3A_455 = vector.shape_cast %swap3A_454 : vector<16xi32> to vector<16xi32>
    %swap3A_456 = vector.shape_cast %add3A_452 : vector<16xi32> to vector<16xi32>
    tpu.vector_store %arg8[%swap3A_453], %swap3A_456 {strides = array<i32>} : memref<512xi32, #tpu.memory_space<vmem>>, vector<16xi32>,
    %get3A_457 = arith.constant 208 : index
    %get3A_458 = tpu.vector_load %arg9[%get3A_457] {strides = array<i32>} : memref<512xi32, #tpu.memory_space<vmem>>, vector<16xi32>,
    %get3A_459 = vector.shape_cast %get3A_458 : vector<16xi32> to vector<16xi32>
    %shift_right_logical3A_460 = arith.constant 14 : i32
    %shift_right_logical3A_461 = vector.broadcast %shift_right_logical3A_460 : i32 to vector<16xi32>
    %shift_right_logical3A_462 = arith.shrui %get3A_459, %shift_right_logical3A_461 : vector<16xi32>
    %shift_left3A_463 = arith.constant 12 : i32
    %shift_left3A_464 = vector.broadcast %shift_left3A_463 : i32 to vector<16xi32>
    %shift_left3A_465 = arith.shli %shift_right_logical3A_462, %shift_left3A_464 : vector<16xi32>
    %and3A_466 = arith.constant 4095 : i32
    %and3A_467 = vector.broadcast %and3A_466 : i32 to vector<16xi32>
    %and3A_468 = arith.andi %get3A_459, %and3A_467 : vector<16xi32>
    %add3A_469 = arith.addi %shift_left3A_465, %and3A_468 : vector<16xi32>
    %swap3A_470 = arith.constant 208 : index
    %swap3A_471 = tpu.vector_load %arg9[%swap3A_470] {strides = array<i32>} : memref<512xi32, #tpu.memory_space<vmem>>, vector<16xi32>,
    %swap3A_472 = vector.shape_cast %swap3A_471 : vector<16xi32> to vector<16xi32>
    %swap3A_473 = vector.shape_cast %add3A_469 : vector<16xi32> to vector<16xi32>
    tpu.vector_store %arg9[%swap3A_470], %swap3A_473 {strides = array<i32>} : memref<512xi32, #tpu.memory_space<vmem>>, vector<16xi32>,
    %get3A_474 = arith.constant 224 : index
    %get3A_475 = tpu.vector_load %arg8[%get3A_474] {strides = array<i32>} : memref<512xi32, #tpu.memory_space<vmem>>, vector<16xi32>,
    %get3A_476 = vector.shape_cast %get3A_475 : vector<16xi32> to vector<16xi32>
    %shift_right_logical3A_477 = arith.constant 14 : i32
    %shift_right_logical3A_478 = vector.broadcast %shift_right_logical3A_477 : i32 to vector<16xi32>
    %shift_right_logical3A_479 = arith.shrui %get3A_476, %shift_right_logical3A_478 : vector<16xi32>
    %shift_left3A_480 = arith.constant 12 : i32
    %shift_left3A_481 = vector.broadcast %shift_left3A_480 : i32 to vector<16xi32>
    %shift_left3A_482 = arith.shli %shift_right_logical3A_479, %shift_left3A_481 : vector<16xi32>
    %and3A_483 = arith.constant 4095 : i32
    %and3A_484 = vector.broadcast %and3A_483 : i32 to vector<16xi32>
    %and3A_485 = arith.andi %get3A_476, %and3A_484 : vector<16xi32>
    %add3A_486 = arith.addi %shift_left3A_482, %and3A_485 : vector<16xi32>
    %swap3A_487 = arith.constant 224 : index
    %swap3A_488 = tpu.vector_load %arg8[%swap3A_487] {strides = array<i32>} : memref<512xi32, #tpu.memory_space<vmem>>, vector<16xi32>,
    %swap3A_489 = vector.shape_cast %swap3A_488 : vector<16xi32> to vector<16xi32>
    %swap3A_490 = vector.shape_cast %add3A_486 : vector<16xi32> to vector<16xi32>
    tpu.vector_store %arg8[%swap3A_487], %swap3A_490 {strides = array<i32>} : memref<512xi32, #tpu.memory_space<vmem>>, vector<16xi32>,
    %get3A_491 = arith.constant 224 : index
    %get3A_492 = tpu.vector_load %arg9[%get3A_491] {strides = array<i32>} : memref<512xi32, #tpu.memory_space<vmem>>, vector<16xi32>,
    %get3A_493 = vector.shape_cast %get3A_492 : vector<16xi32> to vector<16xi32>
    %shift_right_logical3A_494 = arith.constant 14 : i32
    %shift_right_logical3A_495 = vector.broadcast %shift_right_logical3A_494 : i32 to vector<16xi32>
    %shift_right_logical3A_496 = arith.shrui %get3A_493, %shift_right_logical3A_495 : vector<16xi32>
    %shift_left3A_497 = arith.constant 12 : i32
    %shift_left3A_498 = vector.broadcast %shift_left3A_497 : i32 to vector<16xi32>
    %shift_left3A_499 = arith.shli %shift_right_logical3A_496, %shift_left3A_498 : vector<16xi32>
    %and3A_500 = arith.constant 4095 : i32
    %and3A_501 = vector.broadcast %and3A_500 : i32 to vector<16xi32>
    %and3A_502 = arith.andi %get3A_493, %and3A_501 : vector<16xi32>
    %add3A_503 = arith.addi %shift_left3A_499, %and3A_502 : vector<16xi32>
    %swap3A_504 = arith.constant 224 : index
    %swap3A_505 = tpu.vector_load %arg9[%swap3A_504] {strides = array<i32>} : memref<512xi32, #tpu.memory_space<vmem>>, vector<16xi32>,
    %swap3A_506 = vector.shape_cast %swap3A_505 : vector<16xi32> to vector<16xi32>
    %swap3A_507 = vector.shape_cast %add3A_503 : vector<16xi32> to vector<16xi32>
    tpu.vector_store %arg9[%swap3A_504], %swap3A_507 {strides = array<i32>} : memref<512xi32, #tpu.memory_space<vmem>>, vector<16xi32>,
    %get3A_508 = arith.constant 240 : index
    %get3A_509 = tpu.vector_load %arg8[%get3A_508] {strides = array<i32>} : memref<512xi32, #tpu.memory_space<vmem>>, vector<16xi32>,
    %get3A_510 = vector.shape_cast %get3A_509 : vector<16xi32> to vector<16xi32>
    %shift_right_logical3A_511 = arith.constant 14 : i32
    %shift_right_logical3A_512 = vector.broadcast %shift_right_logical3A_511 : i32 to vector<16xi32>
    %shift_right_logical3A_513 = arith.shrui %get3A_510, %shift_right_logical3A_512 : vector<16xi32>
    %shift_left3A_514 = arith.constant 12 : i32
    %shift_left3A_515 = vector.broadcast %shift_left3A_514 : i32 to vector<16xi32>
    %shift_left3A_516 = arith.shli %shift_right_logical3A_513, %shift_left3A_515 : vector<16xi32>
    %and3A_517 = arith.constant 4095 : i32
    %and3A_518 = vector.broadcast %and3A_517 : i32 to vector<16xi32>
    %and3A_519 = arith.andi %get3A_510, %and3A_518 : vector<16xi32>
    %add3A_520 = arith.addi %shift_left3A_516, %and3A_519 : vector<16xi32>
    %swap3A_521 = arith.constant 240 : index
    %swap3A_522 = tpu.vector_load %arg8[%swap3A_521] {strides = array<i32>} : memref<512xi32, #tpu.memory_space<vmem>>, vector<16xi32>,
    %swap3A_523 = vector.shape_cast %swap3A_522 : vector<16xi32> to vector<16xi32>
    %swap3A_524 = vector.shape_cast %add3A_520 : vector<16xi32> to vector<16xi32>
    tpu.vector_store %arg8[%swap3A_521], %swap3A_524 {strides = array<i32>} : memref<512xi32, #tpu.memory_space<vmem>>, vector<16xi32>,
    %get3A_525 = arith.constant 240 : index
    %get3A_526 = tpu.vector_load %arg9[%get3A_525] {strides = array<i32>} : memref<512xi32, #tpu.memory_space<vmem>>, vector<16xi32>,
    %get3A_527 = vector.shape_cast %get3A_526 : vector<16xi32> to vector<16xi32>
    %shift_right_logical3A_528 = arith.constant 14 : i32
    %shift_right_logical3A_529 = vector.broadcast %shift_right_logical3A_528 : i32 to vector<16xi32>
    %shift_right_logical3A_530 = arith.shrui %get3A_527, %shift_right_logical3A_529 : vector<16xi32>
    %shift_left3A_531 = arith.constant 12 : i32
    %shift_left3A_532 = vector.broadcast %shift_left3A_531 : i32 to vector<16xi32>
    %shift_left3A_533 = arith.shli %shift_right_logical3A_530, %shift_left3A_532 : vector<16xi32>
    %and3A_534 = arith.constant 4095 : i32
    %and3A_535 = vector.broadcast %and3A_534 : i32 to vector<16xi32>
    %and3A_536 = arith.andi %get3A_527, %and3A_535 : vector<16xi32>
    %add3A_537 = arith.addi %shift_left3A_533, %and3A_536 : vector<16xi32>
    %swap3A_538 = arith.constant 240 : index
    %swap3A_539 = tpu.vector_load %arg9[%swap3A_538] {strides = array<i32>} : memref<512xi32, #tpu.memory_space<vmem>>, vector<16xi32>,
    %swap3A_540 = vector.shape_cast %swap3A_539 : vector<16xi32> to vector<16xi32>
    %swap3A_541 = vector.shape_cast %add3A_537 : vector<16xi32> to vector<16xi32>
    tpu.vector_store %arg9[%swap3A_538], %swap3A_541 {strides = array<i32>} : memref<512xi32, #tpu.memory_space<vmem>>, vector<16xi32>,
    %get3A_542 = arith.constant 256 : index
    %get3A_543 = tpu.vector_load %arg8[%get3A_542] {strides = array<i32>} : memref<512xi32, #tpu.memory_space<vmem>>, vector<16xi32>,
    %get3A_544 = vector.shape_cast %get3A_543 : vector<16xi32> to vector<16xi32>
    %shift_right_logical3A_545 = arith.constant 14 : i32
    %shift_right_logical3A_546 = vector.broadcast %shift_right_logical3A_545 : i32 to vector<16xi32>
    %shift_right_logical3A_547 = arith.shrui %get3A_544, %shift_right_logical3A_546 : vector<16xi32>
    %shift_left3A_548 = arith.constant 12 : i32
    %shift_left3A_549 = vector.broadcast %shift_left3A_548 : i32 to vector<16xi32>
    %shift_left3A_550 = arith.shli %shift_right_logical3A_547, %shift_left3A_549 : vector<16xi32>
    %and3A_551 = arith.constant 4095 : i32
    %and3A_552 = vector.broadcast %and3A_551 : i32 to vector<16xi32>
    %and3A_553 = arith.andi %get3A_544, %and3A_552 : vector<16xi32>
    %add3A_554 = arith.addi %shift_left3A_550, %and3A_553 : vector<16xi32>
    %swap3A_555 = arith.constant 256 : index
    %swap3A_556 = tpu.vector_load %arg8[%swap3A_555] {strides = array<i32>} : memref<512xi32, #tpu.memory_space<vmem>>, vector<16xi32>,
    %swap3A_557 = vector.shape_cast %swap3A_556 : vector<16xi32> to vector<16xi32>
    %swap3A_558 = vector.shape_cast %add3A_554 : vector<16xi32> to vector<16xi32>
    tpu.vector_store %arg8[%swap3A_555], %swap3A_558 {strides = array<i32>} : memref<512xi32, #tpu.memory_space<vmem>>, vector<16xi32>,
    %get3A_559 = arith.constant 256 : index
    %get3A_560 = tpu.vector_load %arg9[%get3A_559] {strides = array<i32>} : memref<512xi32, #tpu.memory_space<vmem>>, vector<16xi32>,
    %get3A_561 = vector.shape_cast %get3A_560 : vector<16xi32> to vector<16xi32>
    %shift_right_logical3A_562 = arith.constant 14 : i32
    %shift_right_logical3A_563 = vector.broadcast %shift_right_logical3A_562 : i32 to vector<16xi32>
    %shift_right_logical3A_564 = arith.shrui %get3A_561, %shift_right_logical3A_563 : vector<16xi32>
    %shift_left3A_565 = arith.constant 12 : i32
    %shift_left3A_566 = vector.broadcast %shift_left3A_565 : i32 to vector<16xi32>
    %shift_left3A_567 = arith.shli %shift_right_logical3A_564, %shift_left3A_566 : vector<16xi32>
    %and3A_568 = arith.constant 4095 : i32
    %and3A_569 = vector.broadcast %and3A_568 : i32 to vector<16xi32>
    %and3A_570 = arith.andi %get3A_561, %and3A_569 : vector<16xi32>
    %add3A_571 = arith.addi %shift_left3A_567, %and3A_570 : vector<16xi32>
    %swap3A_572 = arith.constant 256 : index
    %swap3A_573 = tpu.vector_load %arg9[%swap3A_572] {strides = array<i32>} : memref<512xi32, #tpu.memory_space<vmem>>, vector<16xi32>,
    %swap3A_574 = vector.shape_cast %swap3A_573 : vector<16xi32> to vector<16xi32>
    %swap3A_575 = vector.shape_cast %add3A_571 : vector<16xi32> to vector<16xi32>
    tpu.vector_store %arg9[%swap3A_572], %swap3A_575 {strides = array<i32>} : memref<512xi32, #tpu.memory_space<vmem>>, vector<16xi32>,
    %get3A_576 = arith.constant 272 : index
    %get3A_577 = tpu.vector_load %arg8[%get3A_576] {strides = array<i32>} : memref<512xi32, #tpu.memory_space<vmem>>, vector<16xi32>,
    %get3A_578 = vector.shape_cast %get3A_577 : vector<16xi32> to vector<16xi32>
    %shift_right_logical3A_579 = arith.constant 14 : i32
    %shift_right_logical3A_580 = vector.broadcast %shift_right_logical3A_579 : i32 to vector<16xi32>
    %shift_right_logical3A_581 = arith.shrui %get3A_578, %shift_right_logical3A_580 : vector<16xi32>
    %shift_left3A_582 = arith.constant 12 : i32
    %shift_left3A_583 = vector.broadcast %shift_left3A_582 : i32 to vector<16xi32>
    %shift_left3A_584 = arith.shli %shift_right_logical3A_581, %shift_left3A_583 : vector<16xi32>
    %and3A_585 = arith.constant 4095 : i32
    %and3A_586 = vector.broadcast %and3A_585 : i32 to vector<16xi32>
    %and3A_587 = arith.andi %get3A_578, %and3A_586 : vector<16xi32>
    %add3A_588 = arith.addi %shift_left3A_584, %and3A_587 : vector<16xi32>
    %swap3A_589 = arith.constant 272 : index
    %swap3A_590 = tpu.vector_load %arg8[%swap3A_589] {strides = array<i32>} : memref<512xi32, #tpu.memory_space<vmem>>, vector<16xi32>,
    %swap3A_591 = vector.shape_cast %swap3A_590 : vector<16xi32> to vector<16xi32>
    %swap3A_592 = vector.shape_cast %add3A_588 : vector<16xi32> to vector<16xi32>
    tpu.vector_store %arg8[%swap3A_589], %swap3A_592 {strides = array<i32>} : memref<512xi32, #tpu.memory_space<vmem>>, vector<16xi32>,
    %get3A_593 = arith.constant 272 : index
    %get3A_594 = tpu.vector_load %arg9[%get3A_593] {strides = array<i32>} : memref<512xi32, #tpu.memory_space<vmem>>, vector<16xi32>,
    %get3A_595 = vector.shape_cast %get3A_594 : vector<16xi32> to vector<16xi32>
    %shift_right_logical3A_596 = arith.constant 14 : i32
    %shift_right_logical3A_597 = vector.broadcast %shift_right_logical3A_596 : i32 to vector<16xi32>
    %shift_right_logical3A_598 = arith.shrui %get3A_595, %shift_right_logical3A_597 : vector<16xi32>
    %shift_left3A_599 = arith.constant 12 : i32
    %shift_left3A_600 = vector.broadcast %shift_left3A_599 : i32 to vector<16xi32>
    %shift_left3A_601 = arith.shli %shift_right_logical3A_598, %shift_left3A_600 : vector<16xi32>
    %and3A_602 = arith.constant 4095 : i32
    %and3A_603 = vector.broadcast %and3A_602 : i32 to vector<16xi32>
    %and3A_604 = arith.andi %get3A_595, %and3A_603 : vector<16xi32>
    %add3A_605 = arith.addi %shift_left3A_601, %and3A_604 : vector<16xi32>
    %swap3A_606 = arith.constant 272 : index
    %swap3A_607 = tpu.vector_load %arg9[%swap3A_606] {strides = array<i32>} : memref<512xi32, #tpu.memory_space<vmem>>, vector<16xi32>,
    %swap3A_608 = vector.shape_cast %swap3A_607 : vector<16xi32> to vector<16xi32>
    %swap3A_609 = vector.shape_cast %add3A_605 : vector<16xi32> to vector<16xi32>
    tpu.vector_store %arg9[%swap3A_606], %swap3A_609 {strides = array<i32>} : memref<512xi32, #tpu.memory_space<vmem>>, vector<16xi32>,
    %get3A_610 = arith.constant 288 : index
    %get3A_611 = tpu.vector_load %arg8[%get3A_610] {strides = array<i32>} : memref<512xi32, #tpu.memory_space<vmem>>, vector<16xi32>,
    %get3A_612 = vector.shape_cast %get3A_611 : vector<16xi32> to vector<16xi32>
    %shift_right_logical3A_613 = arith.constant 14 : i32
    %shift_right_logical3A_614 = vector.broadcast %shift_right_logical3A_613 : i32 to vector<16xi32>
    %shift_right_logical3A_615 = arith.shrui %get3A_612, %shift_right_logical3A_614 : vector<16xi32>
    %shift_left3A_616 = arith.constant 12 : i32
    %shift_left3A_617 = vector.broadcast %shift_left3A_616 : i32 to vector<16xi32>
    %shift_left3A_618 = arith.shli %shift_right_logical3A_615, %shift_left3A_617 : vector<16xi32>
    %and3A_619 = arith.constant 4095 : i32
    %and3A_620 = vector.broadcast %and3A_619 : i32 to vector<16xi32>
    %and3A_621 = arith.andi %get3A_612, %and3A_620 : vector<16xi32>
    %add3A_622 = arith.addi %shift_left3A_618, %and3A_621 : vector<16xi32>
    %swap3A_623 = arith.constant 288 : index
    %swap3A_624 = tpu.vector_load %arg8[%swap3A_623] {strides = array<i32>} : memref<512xi32, #tpu.memory_space<vmem>>, vector<16xi32>,
    %swap3A_625 = vector.shape_cast %swap3A_624 : vector<16xi32> to vector<16xi32>
    %swap3A_626 = vector.shape_cast %add3A_622 : vector<16xi32> to vector<16xi32>
    tpu.vector_store %arg8[%swap3A_623], %swap3A_626 {strides = array<i32>} : memref<512xi32, #tpu.memory_space<vmem>>, vector<16xi32>,
    %get3A_627 = arith.constant 288 : index
    %get3A_628 = tpu.vector_load %arg9[%get3A_627] {strides = array<i32>} : memref<512xi32, #tpu.memory_space<vmem>>, vector<16xi32>,
    %get3A_629 = vector.shape_cast %get3A_628 : vector<16xi32> to vector<16xi32>
    %shift_right_logical3A_630 = arith.constant 14 : i32
    %shift_right_logical3A_631 = vector.broadcast %shift_right_logical3A_630 : i32 to vector<16xi32>
    %shift_right_logical3A_632 = arith.shrui %get3A_629, %shift_right_logical3A_631 : vector<16xi32>
    %shift_left3A_633 = arith.constant 12 : i32
    %shift_left3A_634 = vector.broadcast %shift_left3A_633 : i32 to vector<16xi32>
    %shift_left3A_635 = arith.shli %shift_right_logical3A_632, %shift_left3A_634 : vector<16xi32>
    %and3A_636 = arith.constant 4095 : i32
    %and3A_637 = vector.broadcast %and3A_636 : i32 to vector<16xi32>
    %and3A_638 = arith.andi %get3A_629, %and3A_637 : vector<16xi32>
    %add3A_639 = arith.addi %shift_left3A_635, %and3A_638 : vector<16xi32>
    %swap3A_640 = arith.constant 288 : index
    %swap3A_641 = tpu.vector_load %arg9[%swap3A_640] {strides = array<i32>} : memref<512xi32, #tpu.memory_space<vmem>>, vector<16xi32>,
    %swap3A_642 = vector.shape_cast %swap3A_641 : vector<16xi32> to vector<16xi32>
    %swap3A_643 = vector.shape_cast %add3A_639 : vector<16xi32> to vector<16xi32>
    tpu.vector_store %arg9[%swap3A_640], %swap3A_643 {strides = array<i32>} : memref<512xi32, #tpu.memory_space<vmem>>, vector<16xi32>,
    %get3A_644 = arith.constant 304 : index
    %get3A_645 = tpu.vector_load %arg8[%get3A_644] {strides = array<i32>} : memref<512xi32, #tpu.memory_space<vmem>>, vector<16xi32>,
    %get3A_646 = vector.shape_cast %get3A_645 : vector<16xi32> to vector<16xi32>
    %shift_right_logical3A_647 = arith.constant 14 : i32
    %shift_right_logical3A_648 = vector.broadcast %shift_right_logical3A_647 : i32 to vector<16xi32>
    %shift_right_logical3A_649 = arith.shrui %get3A_646, %shift_right_logical3A_648 : vector<16xi32>
    %shift_left3A_650 = arith.constant 12 : i32
    %shift_left3A_651 = vector.broadcast %shift_left3A_650 : i32 to vector<16xi32>
    %shift_left3A_652 = arith.shli %shift_right_logical3A_649, %shift_left3A_651 : vector<16xi32>
    %and3A_653 = arith.constant 4095 : i32
    %and3A_654 = vector.broadcast %and3A_653 : i32 to vector<16xi32>
    %and3A_655 = arith.andi %get3A_646, %and3A_654 : vector<16xi32>
    %add3A_656 = arith.addi %shift_left3A_652, %and3A_655 : vector<16xi32>
    %swap3A_657 = arith.constant 304 : index
    %swap3A_658 = tpu.vector_load %arg8[%swap3A_657] {strides = array<i32>} : memref<512xi32, #tpu.memory_space<vmem>>, vector<16xi32>,
    %swap3A_659 = vector.shape_cast %swap3A_658 : vector<16xi32> to vector<16xi32>
    %swap3A_660 = vector.shape_cast %add3A_656 : vector<16xi32> to vector<16xi32>
    tpu.vector_store %arg8[%swap3A_657], %swap3A_660 {strides = array<i32>} : memref<512xi32, #tpu.memory_space<vmem>>, vector<16xi32>,
    %get3A_661 = arith.constant 304 : index
    %get3A_662 = tpu.vector_load %arg9[%get3A_661] {strides = array<i32>} : memref<512xi32, #tpu.memory_space<vmem>>, vector<16xi32>,
    %get3A_663 = vector.shape_cast %get3A_662 : vector<16xi32> to vector<16xi32>
    %shift_right_logical3A_664 = arith.constant 14 : i32
    %shift_right_logical3A_665 = vector.broadcast %shift_right_logical3A_664 : i32 to vector<16xi32>
    %shift_right_logical3A_666 = arith.shrui %get3A_663, %shift_right_logical3A_665 : vector<16xi32>
    %shift_left3A_667 = arith.constant 12 : i32
    %shift_left3A_668 = vector.broadcast %shift_left3A_667 : i32 to vector<16xi32>
    %shift_left3A_669 = arith.shli %shift_right_logical3A_666, %shift_left3A_668 : vector<16xi32>
    %and3A_670 = arith.constant 4095 : i32
    %and3A_671 = vector.broadcast %and3A_670 : i32 to vector<16xi32>
    %and3A_672 = arith.andi %get3A_663, %and3A_671 : vector<16xi32>
    %add3A_673 = arith.addi %shift_left3A_669, %and3A_672 : vector<16xi32>
    %swap3A_674 = arith.constant 304 : index
    %swap3A_675 = tpu.vector_load %arg9[%swap3A_674] {strides = array<i32>} : memref<512xi32, #tpu.memory_space<vmem>>, vector<16xi32>,
    %swap3A_676 = vector.shape_cast %swap3A_675 : vector<16xi32> to vector<16xi32>
    %swap3A_677 = vector.shape_cast %add3A_673 : vector<16xi32> to vector<16xi32>
    tpu.vector_store %arg9[%swap3A_674], %swap3A_677 {strides = array<i32>} : memref<512xi32, #tpu.memory_space<vmem>>, vector<16xi32>,
    %get3A_678 = arith.constant 320 : index
    %get3A_679 = tpu.vector_load %arg8[%get3A_678] {strides = array<i32>} : memref<512xi32, #tpu.memory_space<vmem>>, vector<16xi32>,
    %get3A_680 = vector.shape_cast %get3A_679 : vector<16xi32> to vector<16xi32>
    %shift_right_logical3A_681 = arith.constant 14 : i32
    %shift_right_logical3A_682 = vector.broadcast %shift_right_logical3A_681 : i32 to vector<16xi32>
    %shift_right_logical3A_683 = arith.shrui %get3A_680, %shift_right_logical3A_682 : vector<16xi32>
    %shift_left3A_684 = arith.constant 12 : i32
    %shift_left3A_685 = vector.broadcast %shift_left3A_684 : i32 to vector<16xi32>
    %shift_left3A_686 = arith.shli %shift_right_logical3A_683, %shift_left3A_685 : vector<16xi32>
    %and3A_687 = arith.constant 4095 : i32
    %and3A_688 = vector.broadcast %and3A_687 : i32 to vector<16xi32>
    %and3A_689 = arith.andi %get3A_680, %and3A_688 : vector<16xi32>
    %add3A_690 = arith.addi %shift_left3A_686, %and3A_689 : vector<16xi32>
    %swap3A_691 = arith.constant 320 : index
    %swap3A_692 = tpu.vector_load %arg8[%swap3A_691] {strides = array<i32>} : memref<512xi32, #tpu.memory_space<vmem>>, vector<16xi32>,
    %swap3A_693 = vector.shape_cast %swap3A_692 : vector<16xi32> to vector<16xi32>
    %swap3A_694 = vector.shape_cast %add3A_690 : vector<16xi32> to vector<16xi32>
    tpu.vector_store %arg8[%swap3A_691], %swap3A_694 {strides = array<i32>} : memref<512xi32, #tpu.memory_space<vmem>>, vector<16xi32>,
    %get3A_695 = arith.constant 320 : index
    %get3A_696 = tpu.vector_load %arg9[%get3A_695] {strides = array<i32>} : memref<512xi32, #tpu.memory_space<vmem>>, vector<16xi32>,
    %get3A_697 = vector.shape_cast %get3A_696 : vector<16xi32> to vector<16xi32>
    %shift_right_logical3A_698 = arith.constant 14 : i32
    %shift_right_logical3A_699 = vector.broadcast %shift_right_logical3A_698 : i32 to vector<16xi32>
    %shift_right_logical3A_700 = arith.shrui %get3A_697, %shift_right_logical3A_699 : vector<16xi32>
    %shift_left3A_701 = arith.constant 12 : i32
    %shift_left3A_702 = vector.broadcast %shift_left3A_701 : i32 to vector<16xi32>
    %shift_left3A_703 = arith.shli %shift_right_logical3A_700, %shift_left3A_702 : vector<16xi32>
    %and3A_704 = arith.constant 4095 : i32
    %and3A_705 = vector.broadcast %and3A_704 : i32 to vector<16xi32>
    %and3A_706 = arith.andi %get3A_697, %and3A_705 : vector<16xi32>
    %add3A_707 = arith.addi %shift_left3A_703, %and3A_706 : vector<16xi32>
    %swap3A_708 = arith.constant 320 : index
    %swap3A_709 = tpu.vector_load %arg9[%swap3A_708] {strides = array<i32>} : memref<512xi32, #tpu.memory_space<vmem>>, vector<16xi32>,
    %swap3A_710 = vector.shape_cast %swap3A_709 : vector<16xi32> to vector<16xi32>
    %swap3A_711 = vector.shape_cast %add3A_707 : vector<16xi32> to vector<16xi32>
    tpu.vector_store %arg9[%swap3A_708], %swap3A_711 {strides = array<i32>} : memref<512xi32, #tpu.memory_space<vmem>>, vector<16xi32>,
    %get3A_712 = arith.constant 336 : index
    %get3A_713 = tpu.vector_load %arg8[%get3A_712] {strides = array<i32>} : memref<512xi32, #tpu.memory_space<vmem>>, vector<16xi32>,
    %get3A_714 = vector.shape_cast %get3A_713 : vector<16xi32> to vector<16xi32>
    %shift_right_logical3A_715 = arith.constant 14 : i32
    %shift_right_logical3A_716 = vector.broadcast %shift_right_logical3A_715 : i32 to vector<16xi32>
    %shift_right_logical3A_717 = arith.shrui %get3A_714, %shift_right_logical3A_716 : vector<16xi32>
    %shift_left3A_718 = arith.constant 12 : i32
    %shift_left3A_719 = vector.broadcast %shift_left3A_718 : i32 to vector<16xi32>
    %shift_left3A_720 = arith.shli %shift_right_logical3A_717, %shift_left3A_719 : vector<16xi32>
    %and3A_721 = arith.constant 4095 : i32
    %and3A_722 = vector.broadcast %and3A_721 : i32 to vector<16xi32>
    %and3A_723 = arith.andi %get3A_714, %and3A_722 : vector<16xi32>
    %add3A_724 = arith.addi %shift_left3A_720, %and3A_723 : vector<16xi32>
    %swap3A_725 = arith.constant 336 : index
    %swap3A_726 = tpu.vector_load %arg8[%swap3A_725] {strides = array<i32>} : memref<512xi32, #tpu.memory_space<vmem>>, vector<16xi32>,
    %swap3A_727 = vector.shape_cast %swap3A_726 : vector<16xi32> to vector<16xi32>
    %swap3A_728 = vector.shape_cast %add3A_724 : vector<16xi32> to vector<16xi32>
    tpu.vector_store %arg8[%swap3A_725], %swap3A_728 {strides = array<i32>} : memref<512xi32, #tpu.memory_space<vmem>>, vector<16xi32>,
    %get3A_729 = arith.constant 336 : index
    %get3A_730 = tpu.vector_load %arg9[%get3A_729] {strides = array<i32>} : memref<512xi32, #tpu.memory_space<vmem>>, vector<16xi32>,
    %get3A_731 = vector.shape_cast %get3A_730 : vector<16xi32> to vector<16xi32>
    %shift_right_logical3A_732 = arith.constant 14 : i32
    %shift_right_logical3A_733 = vector.broadcast %shift_right_logical3A_732 : i32 to vector<16xi32>
    %shift_right_logical3A_734 = arith.shrui %get3A_731, %shift_right_logical3A_733 : vector<16xi32>
    %shift_left3A_735 = arith.constant 12 : i32
    %shift_left3A_736 = vector.broadcast %shift_left3A_735 : i32 to vector<16xi32>
    %shift_left3A_737 = arith.shli %shift_right_logical3A_734, %shift_left3A_736 : vector<16xi32>
    %and3A_738 = arith.constant 4095 : i32
    %and3A_739 = vector.broadcast %and3A_738 : i32 to vector<16xi32>
    %and3A_740 = arith.andi %get3A_731, %and3A_739 : vector<16xi32>
    %add3A_741 = arith.addi %shift_left3A_737, %and3A_740 : vector<16xi32>
    %swap3A_742 = arith.constant 336 : index
    %swap3A_743 = tpu.vector_load %arg9[%swap3A_742] {strides = array<i32>} : memref<512xi32, #tpu.memory_space<vmem>>, vector<16xi32>,
    %swap3A_744 = vector.shape_cast %swap3A_743 : vector<16xi32> to vector<16xi32>
    %swap3A_745 = vector.shape_cast %add3A_741 : vector<16xi32> to vector<16xi32>
    tpu.vector_store %arg9[%swap3A_742], %swap3A_745 {strides = array<i32>} : memref<512xi32, #tpu.memory_space<vmem>>, vector<16xi32>,
    %get3A_746 = arith.constant 352 : index
    %get3A_747 = tpu.vector_load %arg8[%get3A_746] {strides = array<i32>} : memref<512xi32, #tpu.memory_space<vmem>>, vector<16xi32>,
    %get3A_748 = vector.shape_cast %get3A_747 : vector<16xi32> to vector<16xi32>
    %shift_right_logical3A_749 = arith.constant 14 : i32
    %shift_right_logical3A_750 = vector.broadcast %shift_right_logical3A_749 : i32 to vector<16xi32>
    %shift_right_logical3A_751 = arith.shrui %get3A_748, %shift_right_logical3A_750 : vector<16xi32>
    %shift_left3A_752 = arith.constant 12 : i32
    %shift_left3A_753 = vector.broadcast %shift_left3A_752 : i32 to vector<16xi32>
    %shift_left3A_754 = arith.shli %shift_right_logical3A_751, %shift_left3A_753 : vector<16xi32>
    %and3A_755 = arith.constant 4095 : i32
    %and3A_756 = vector.broadcast %and3A_755 : i32 to vector<16xi32>
    %and3A_757 = arith.andi %get3A_748, %and3A_756 : vector<16xi32>
    %add3A_758 = arith.addi %shift_left3A_754, %and3A_757 : vector<16xi32>
    %swap3A_759 = arith.constant 352 : index
    %swap3A_760 = tpu.vector_load %arg8[%swap3A_759] {strides = array<i32>} : memref<512xi32, #tpu.memory_space<vmem>>, vector<16xi32>,
    %swap3A_761 = vector.shape_cast %swap3A_760 : vector<16xi32> to vector<16xi32>
    %swap3A_762 = vector.shape_cast %add3A_758 : vector<16xi32> to vector<16xi32>
    tpu.vector_store %arg8[%swap3A_759], %swap3A_762 {strides = array<i32>} : memref<512xi32, #tpu.memory_space<vmem>>, vector<16xi32>,
    %get3A_763 = arith.constant 352 : index
    %get3A_764 = tpu.vector_load %arg9[%get3A_763] {strides = array<i32>} : memref<512xi32, #tpu.memory_space<vmem>>, vector<16xi32>,
    %get3A_765 = vector.shape_cast %get3A_764 : vector<16xi32> to vector<16xi32>
    %shift_right_logical3A_766 = arith.constant 14 : i32
    %shift_right_logical3A_767 = vector.broadcast %shift_right_logical3A_766 : i32 to vector<16xi32>
    %shift_right_logical3A_768 = arith.shrui %get3A_765, %shift_right_logical3A_767 : vector<16xi32>
    %shift_left3A_769 = arith.constant 12 : i32
    %shift_left3A_770 = vector.broadcast %shift_left3A_769 : i32 to vector<16xi32>
    %shift_left3A_771 = arith.shli %shift_right_logical3A_768, %shift_left3A_770 : vector<16xi32>
    %and3A_772 = arith.constant 4095 : i32
    %and3A_773 = vector.broadcast %and3A_772 : i32 to vector<16xi32>
    %and3A_774 = arith.andi %get3A_765, %and3A_773 : vector<16xi32>
    %add3A_775 = arith.addi %shift_left3A_771, %and3A_774 : vector<16xi32>
    %swap3A_776 = arith.constant 352 : index
    %swap3A_777 = tpu.vector_load %arg9[%swap3A_776] {strides = array<i32>} : memref<512xi32, #tpu.memory_space<vmem>>, vector<16xi32>,
    %swap3A_778 = vector.shape_cast %swap3A_777 : vector<16xi32> to vector<16xi32>
    %swap3A_779 = vector.shape_cast %add3A_775 : vector<16xi32> to vector<16xi32>
    tpu.vector_store %arg9[%swap3A_776], %swap3A_779 {strides = array<i32>} : memref<512xi32, #tpu.memory_space<vmem>>, vector<16xi32>,
    %get3A_780 = arith.constant 368 : index
    %get3A_781 = tpu.vector_load %arg8[%get3A_780] {strides = array<i32>} : memref<512xi32, #tpu.memory_space<vmem>>, vector<16xi32>,
    %get3A_782 = vector.shape_cast %get3A_781 : vector<16xi32> to vector<16xi32>
    %shift_right_logical3A_783 = arith.constant 14 : i32
    %shift_right_logical3A_784 = vector.broadcast %shift_right_logical3A_783 : i32 to vector<16xi32>
    %shift_right_logical3A_785 = arith.shrui %get3A_782, %shift_right_logical3A_784 : vector<16xi32>
    %shift_left3A_786 = arith.constant 12 : i32
    %shift_left3A_787 = vector.broadcast %shift_left3A_786 : i32 to vector<16xi32>
    %shift_left3A_788 = arith.shli %shift_right_logical3A_785, %shift_left3A_787 : vector<16xi32>
    %and3A_789 = arith.constant 4095 : i32
    %and3A_790 = vector.broadcast %and3A_789 : i32 to vector<16xi32>
    %and3A_791 = arith.andi %get3A_782, %and3A_790 : vector<16xi32>
    %add3A_792 = arith.addi %shift_left3A_788, %and3A_791 : vector<16xi32>
    %swap3A_793 = arith.constant 368 : index
    %swap3A_794 = tpu.vector_load %arg8[%swap3A_793] {strides = array<i32>} : memref<512xi32, #tpu.memory_space<vmem>>, vector<16xi32>,
    %swap3A_795 = vector.shape_cast %swap3A_794 : vector<16xi32> to vector<16xi32>
    %swap3A_796 = vector.shape_cast %add3A_792 : vector<16xi32> to vector<16xi32>
    tpu.vector_store %arg8[%swap3A_793], %swap3A_796 {strides = array<i32>} : memref<512xi32, #tpu.memory_space<vmem>>, vector<16xi32>,
    %get3A_797 = arith.constant 368 : index
    %get3A_798 = tpu.vector_load %arg9[%get3A_797] {strides = array<i32>} : memref<512xi32, #tpu.memory_space<vmem>>, vector<16xi32>,
    %get3A_799 = vector.shape_cast %get3A_798 : vector<16xi32> to vector<16xi32>
    %shift_right_logical3A_800 = arith.constant 14 : i32
    %shift_right_logical3A_801 = vector.broadcast %shift_right_logical3A_800 : i32 to vector<16xi32>
    %shift_right_logical3A_802 = arith.shrui %get3A_799, %shift_right_logical3A_801 : vector<16xi32>
    %shift_left3A_803 = arith.constant 12 : i32
    %shift_left3A_804 = vector.broadcast %shift_left3A_803 : i32 to vector<16xi32>
    %shift_left3A_805 = arith.shli %shift_right_logical3A_802, %shift_left3A_804 : vector<16xi32>
    %and3A_806 = arith.constant 4095 : i32
    %and3A_807 = vector.broadcast %and3A_806 : i32 to vector<16xi32>
    %and3A_808 = arith.andi %get3A_799, %and3A_807 : vector<16xi32>
    %add3A_809 = arith.addi %shift_left3A_805, %and3A_808 : vector<16xi32>
    %swap3A_810 = arith.constant 368 : index
    %swap3A_811 = tpu.vector_load %arg9[%swap3A_810] {strides = array<i32>} : memref<512xi32, #tpu.memory_space<vmem>>, vector<16xi32>,
    %swap3A_812 = vector.shape_cast %swap3A_811 : vector<16xi32> to vector<16xi32>
    %swap3A_813 = vector.shape_cast %add3A_809 : vector<16xi32> to vector<16xi32>
    tpu.vector_store %arg9[%swap3A_810], %swap3A_813 {strides = array<i32>} : memref<512xi32, #tpu.memory_space<vmem>>, vector<16xi32>,
    %get3A_814 = arith.constant 384 : index
    %get3A_815 = tpu.vector_load %arg8[%get3A_814] {strides = array<i32>} : memref<512xi32, #tpu.memory_space<vmem>>, vector<16xi32>,
    %get3A_816 = vector.shape_cast %get3A_815 : vector<16xi32> to vector<16xi32>
    %shift_right_logical3A_817 = arith.constant 14 : i32
    %shift_right_logical3A_818 = vector.broadcast %shift_right_logical3A_817 : i32 to vector<16xi32>
    %shift_right_logical3A_819 = arith.shrui %get3A_816, %shift_right_logical3A_818 : vector<16xi32>
    %shift_left3A_820 = arith.constant 12 : i32
    %shift_left3A_821 = vector.broadcast %shift_left3A_820 : i32 to vector<16xi32>
    %shift_left3A_822 = arith.shli %shift_right_logical3A_819, %shift_left3A_821 : vector<16xi32>
    %and3A_823 = arith.constant 4095 : i32
    %and3A_824 = vector.broadcast %and3A_823 : i32 to vector<16xi32>
    %and3A_825 = arith.andi %get3A_816, %and3A_824 : vector<16xi32>
    %add3A_826 = arith.addi %shift_left3A_822, %and3A_825 : vector<16xi32>
    %swap3A_827 = arith.constant 384 : index
    %swap3A_828 = tpu.vector_load %arg8[%swap3A_827] {strides = array<i32>} : memref<512xi32, #tpu.memory_space<vmem>>, vector<16xi32>,
    %swap3A_829 = vector.shape_cast %swap3A_828 : vector<16xi32> to vector<16xi32>
    %swap3A_830 = vector.shape_cast %add3A_826 : vector<16xi32> to vector<16xi32>
    tpu.vector_store %arg8[%swap3A_827], %swap3A_830 {strides = array<i32>} : memref<512xi32, #tpu.memory_space<vmem>>, vector<16xi32>,
    %get3A_831 = arith.constant 384 : index
    %get3A_832 = tpu.vector_load %arg9[%get3A_831] {strides = array<i32>} : memref<512xi32, #tpu.memory_space<vmem>>, vector<16xi32>,
    %get3A_833 = vector.shape_cast %get3A_832 : vector<16xi32> to vector<16xi32>
    %shift_right_logical3A_834 = arith.constant 14 : i32
    %shift_right_logical3A_835 = vector.broadcast %shift_right_logical3A_834 : i32 to vector<16xi32>
    %shift_right_logical3A_836 = arith.shrui %get3A_833, %shift_right_logical3A_835 : vector<16xi32>
    %shift_left3A_837 = arith.constant 12 : i32
    %shift_left3A_838 = vector.broadcast %shift_left3A_837 : i32 to vector<16xi32>
    %shift_left3A_839 = arith.shli %shift_right_logical3A_836, %shift_left3A_838 : vector<16xi32>
    %and3A_840 = arith.constant 4095 : i32
    %and3A_841 = vector.broadcast %and3A_840 : i32 to vector<16xi32>
    %and3A_842 = arith.andi %get3A_833, %and3A_841 : vector<16xi32>
    %add3A_843 = arith.addi %shift_left3A_839, %and3A_842 : vector<16xi32>
    %swap3A_844 = arith.constant 384 : index
    %swap3A_845 = tpu.vector_load %arg9[%swap3A_844] {strides = array<i32>} : memref<512xi32, #tpu.memory_space<vmem>>, vector<16xi32>,
    %swap3A_846 = vector.shape_cast %swap3A_845 : vector<16xi32> to vector<16xi32>
    %swap3A_847 = vector.shape_cast %add3A_843 : vector<16xi32> to vector<16xi32>
    tpu.vector_store %arg9[%swap3A_844], %swap3A_847 {strides = array<i32>} : memref<512xi32, #tpu.memory_space<vmem>>, vector<16xi32>,
    %get3A_848 = arith.constant 400 : index
    %get3A_849 = tpu.vector_load %arg8[%get3A_848] {strides = array<i32>} : memref<512xi32, #tpu.memory_space<vmem>>, vector<16xi32>,
    %get3A_850 = vector.shape_cast %get3A_849 : vector<16xi32> to vector<16xi32>
    %shift_right_logical3A_851 = arith.constant 14 : i32
    %shift_right_logical3A_852 = vector.broadcast %shift_right_logical3A_851 : i32 to vector<16xi32>
    %shift_right_logical3A_853 = arith.shrui %get3A_850, %shift_right_logical3A_852 : vector<16xi32>
    %shift_left3A_854 = arith.constant 12 : i32
    %shift_left3A_855 = vector.broadcast %shift_left3A_854 : i32 to vector<16xi32>
    %shift_left3A_856 = arith.shli %shift_right_logical3A_853, %shift_left3A_855 : vector<16xi32>
    %and3A_857 = arith.constant 4095 : i32
    %and3A_858 = vector.broadcast %and3A_857 : i32 to vector<16xi32>
    %and3A_859 = arith.andi %get3A_850, %and3A_858 : vector<16xi32>
    %add3A_860 = arith.addi %shift_left3A_856, %and3A_859 : vector<16xi32>
    %swap3A_861 = arith.constant 400 : index
    %swap3A_862 = tpu.vector_load %arg8[%swap3A_861] {strides = array<i32>} : memref<512xi32, #tpu.memory_space<vmem>>, vector<16xi32>,
    %swap3A_863 = vector.shape_cast %swap3A_862 : vector<16xi32> to vector<16xi32>
    %swap3A_864 = vector.shape_cast %add3A_860 : vector<16xi32> to vector<16xi32>
    tpu.vector_store %arg8[%swap3A_861], %swap3A_864 {strides = array<i32>} : memref<512xi32, #tpu.memory_space<vmem>>, vector<16xi32>,
    %get3A_865 = arith.constant 400 : index
    %get3A_866 = tpu.vector_load %arg9[%get3A_865] {strides = array<i32>} : memref<512xi32, #tpu.memory_space<vmem>>, vector<16xi32>,
    %get3A_867 = vector.shape_cast %get3A_866 : vector<16xi32> to vector<16xi32>
    %shift_right_logical3A_868 = arith.constant 14 : i32
    %shift_right_logical3A_869 = vector.broadcast %shift_right_logical3A_868 : i32 to vector<16xi32>
    %shift_right_logical3A_870 = arith.shrui %get3A_867, %shift_right_logical3A_869 : vector<16xi32>
    %shift_left3A_871 = arith.constant 12 : i32
    %shift_left3A_872 = vector.broadcast %shift_left3A_871 : i32 to vector<16xi32>
    %shift_left3A_873 = arith.shli %shift_right_logical3A_870, %shift_left3A_872 : vector<16xi32>
    %and3A_874 = arith.constant 4095 : i32
    %and3A_875 = vector.broadcast %and3A_874 : i32 to vector<16xi32>
    %and3A_876 = arith.andi %get3A_867, %and3A_875 : vector<16xi32>
    %add3A_877 = arith.addi %shift_left3A_873, %and3A_876 : vector<16xi32>
    %swap3A_878 = arith.constant 400 : index
    %swap3A_879 = tpu.vector_load %arg9[%swap3A_878] {strides = array<i32>} : memref<512xi32, #tpu.memory_space<vmem>>, vector<16xi32>,
    %swap3A_880 = vector.shape_cast %swap3A_879 : vector<16xi32> to vector<16xi32>
    %swap3A_881 = vector.shape_cast %add3A_877 : vector<16xi32> to vector<16xi32>
    tpu.vector_store %arg9[%swap3A_878], %swap3A_881 {strides = array<i32>} : memref<512xi32, #tpu.memory_space<vmem>>, vector<16xi32>,
    %get3A_882 = arith.constant 416 : index
    %get3A_883 = tpu.vector_load %arg8[%get3A_882] {strides = array<i32>} : memref<512xi32, #tpu.memory_space<vmem>>, vector<16xi32>,
    %get3A_884 = vector.shape_cast %get3A_883 : vector<16xi32> to vector<16xi32>
    %shift_right_logical3A_885 = arith.constant 14 : i32
    %shift_right_logical3A_886 = vector.broadcast %shift_right_logical3A_885 : i32 to vector<16xi32>
    %shift_right_logical3A_887 = arith.shrui %get3A_884, %shift_right_logical3A_886 : vector<16xi32>
    %shift_left3A_888 = arith.constant 12 : i32
    %shift_left3A_889 = vector.broadcast %shift_left3A_888 : i32 to vector<16xi32>
    %shift_left3A_890 = arith.shli %shift_right_logical3A_887, %shift_left3A_889 : vector<16xi32>
    %and3A_891 = arith.constant 4095 : i32
    %and3A_892 = vector.broadcast %and3A_891 : i32 to vector<16xi32>
    %and3A_893 = arith.andi %get3A_884, %and3A_892 : vector<16xi32>
    %add3A_894 = arith.addi %shift_left3A_890, %and3A_893 : vector<16xi32>
    %swap3A_895 = arith.constant 416 : index
    %swap3A_896 = tpu.vector_load %arg8[%swap3A_895] {strides = array<i32>} : memref<512xi32, #tpu.memory_space<vmem>>, vector<16xi32>,
    %swap3A_897 = vector.shape_cast %swap3A_896 : vector<16xi32> to vector<16xi32>
    %swap3A_898 = vector.shape_cast %add3A_894 : vector<16xi32> to vector<16xi32>
    tpu.vector_store %arg8[%swap3A_895], %swap3A_898 {strides = array<i32>} : memref<512xi32, #tpu.memory_space<vmem>>, vector<16xi32>,
    %get3A_899 = arith.constant 416 : index
    %get3A_900 = tpu.vector_load %arg9[%get3A_899] {strides = array<i32>} : memref<512xi32, #tpu.memory_space<vmem>>, vector<16xi32>,
    %get3A_901 = vector.shape_cast %get3A_900 : vector<16xi32> to vector<16xi32>
    %shift_right_logical3A_902 = arith.constant 14 : i32
    %shift_right_logical3A_903 = vector.broadcast %shift_right_logical3A_902 : i32 to vector<16xi32>
    %shift_right_logical3A_904 = arith.shrui %get3A_901, %shift_right_logical3A_903 : vector<16xi32>
    %shift_left3A_905 = arith.constant 12 : i32
    %shift_left3A_906 = vector.broadcast %shift_left3A_905 : i32 to vector<16xi32>
    %shift_left3A_907 = arith.shli %shift_right_logical3A_904, %shift_left3A_906 : vector<16xi32>
    %and3A_908 = arith.constant 4095 : i32
    %and3A_909 = vector.broadcast %and3A_908 : i32 to vector<16xi32>
    %and3A_910 = arith.andi %get3A_901, %and3A_909 : vector<16xi32>
    %add3A_911 = arith.addi %shift_left3A_907, %and3A_910 : vector<16xi32>
    %swap3A_912 = arith.constant 416 : index
    %swap3A_913 = tpu.vector_load %arg9[%swap3A_912] {strides = array<i32>} : memref<512xi32, #tpu.memory_space<vmem>>, vector<16xi32>,
    %swap3A_914 = vector.shape_cast %swap3A_913 : vector<16xi32> to vector<16xi32>
    %swap3A_915 = vector.shape_cast %add3A_911 : vector<16xi32> to vector<16xi32>
    tpu.vector_store %arg9[%swap3A_912], %swap3A_915 {strides = array<i32>} : memref<512xi32, #tpu.memory_space<vmem>>, vector<16xi32>,
    %get3A_916 = arith.constant 432 : index
    %get3A_917 = tpu.vector_load %arg8[%get3A_916] {strides = array<i32>} : memref<512xi32, #tpu.memory_space<vmem>>, vector<16xi32>,
    %get3A_918 = vector.shape_cast %get3A_917 : vector<16xi32> to vector<16xi32>
    %shift_right_logical3A_919 = arith.constant 14 : i32
    %shift_right_logical3A_920 = vector.broadcast %shift_right_logical3A_919 : i32 to vector<16xi32>
    %shift_right_logical3A_921 = arith.shrui %get3A_918, %shift_right_logical3A_920 : vector<16xi32>
    %shift_left3A_922 = arith.constant 12 : i32
    %shift_left3A_923 = vector.broadcast %shift_left3A_922 : i32 to vector<16xi32>
    %shift_left3A_924 = arith.shli %shift_right_logical3A_921, %shift_left3A_923 : vector<16xi32>
    %and3A_925 = arith.constant 4095 : i32
    %and3A_926 = vector.broadcast %and3A_925 : i32 to vector<16xi32>
    %and3A_927 = arith.andi %get3A_918, %and3A_926 : vector<16xi32>
    %add3A_928 = arith.addi %shift_left3A_924, %and3A_927 : vector<16xi32>
    %swap3A_929 = arith.constant 432 : index
    %swap3A_930 = tpu.vector_load %arg8[%swap3A_929] {strides = array<i32>} : memref<512xi32, #tpu.memory_space<vmem>>, vector<16xi32>,
    %swap3A_931 = vector.shape_cast %swap3A_930 : vector<16xi32> to vector<16xi32>
    %swap3A_932 = vector.shape_cast %add3A_928 : vector<16xi32> to vector<16xi32>
    tpu.vector_store %arg8[%swap3A_929], %swap3A_932 {strides = array<i32>} : memref<512xi32, #tpu.memory_space<vmem>>, vector<16xi32>,
    %get3A_933 = arith.constant 432 : index
    %get3A_934 = tpu.vector_load %arg9[%get3A_933] {strides = array<i32>} : memref<512xi32, #tpu.memory_space<vmem>>, vector<16xi32>,
    %get3A_935 = vector.shape_cast %get3A_934 : vector<16xi32> to vector<16xi32>
    %shift_right_logical3A_936 = arith.constant 14 : i32
    %shift_right_logical3A_937 = vector.broadcast %shift_right_logical3A_936 : i32 to vector<16xi32>
    %shift_right_logical3A_938 = arith.shrui %get3A_935, %shift_right_logical3A_937 : vector<16xi32>
    %shift_left3A_939 = arith.constant 12 : i32
    %shift_left3A_940 = vector.broadcast %shift_left3A_939 : i32 to vector<16xi32>
    %shift_left3A_941 = arith.shli %shift_right_logical3A_938, %shift_left3A_940 : vector<16xi32>
    %and3A_942 = arith.constant 4095 : i32
    %and3A_943 = vector.broadcast %and3A_942 : i32 to vector<16xi32>
    %and3A_944 = arith.andi %get3A_935, %and3A_943 : vector<16xi32>
    %add3A_945 = arith.addi %shift_left3A_941, %and3A_944 : vector<16xi32>
    %swap3A_946 = arith.constant 432 : index
    %swap3A_947 = tpu.vector_load %arg9[%swap3A_946] {strides = array<i32>} : memref<512xi32, #tpu.memory_space<vmem>>, vector<16xi32>,
    %swap3A_948 = vector.shape_cast %swap3A_947 : vector<16xi32> to vector<16xi32>
    %swap3A_949 = vector.shape_cast %add3A_945 : vector<16xi32> to vector<16xi32>
    tpu.vector_store %arg9[%swap3A_946], %swap3A_949 {strides = array<i32>} : memref<512xi32, #tpu.memory_space<vmem>>, vector<16xi32>,
    %get3A_950 = arith.constant 448 : index
    %get3A_951 = tpu.vector_load %arg8[%get3A_950] {strides = array<i32>} : memref<512xi32, #tpu.memory_space<vmem>>, vector<16xi32>,
    %get3A_952 = vector.shape_cast %get3A_951 : vector<16xi32> to vector<16xi32>
    %shift_right_logical3A_953 = arith.constant 14 : i32
    %shift_right_logical3A_954 = vector.broadcast %shift_right_logical3A_953 : i32 to vector<16xi32>
    %shift_right_logical3A_955 = arith.shrui %get3A_952, %shift_right_logical3A_954 : vector<16xi32>
    %shift_left3A_956 = arith.constant 12 : i32
    %shift_left3A_957 = vector.broadcast %shift_left3A_956 : i32 to vector<16xi32>
    %shift_left3A_958 = arith.shli %shift_right_logical3A_955, %shift_left3A_957 : vector<16xi32>
    %and3A_959 = arith.constant 4095 : i32
    %and3A_960 = vector.broadcast %and3A_959 : i32 to vector<16xi32>
    %and3A_961 = arith.andi %get3A_952, %and3A_960 : vector<16xi32>
    %add3A_962 = arith.addi %shift_left3A_958, %and3A_961 : vector<16xi32>
    %swap3A_963 = arith.constant 448 : index
    %swap3A_964 = tpu.vector_load %arg8[%swap3A_963] {strides = array<i32>} : memref<512xi32, #tpu.memory_space<vmem>>, vector<16xi32>,
    %swap3A_965 = vector.shape_cast %swap3A_964 : vector<16xi32> to vector<16xi32>
    %swap3A_966 = vector.shape_cast %add3A_962 : vector<16xi32> to vector<16xi32>
    tpu.vector_store %arg8[%swap3A_963], %swap3A_966 {strides = array<i32>} : memref<512xi32, #tpu.memory_space<vmem>>, vector<16xi32>,
    %get3A_967 = arith.constant 448 : index
    %get3A_968 = tpu.vector_load %arg9[%get3A_967] {strides = array<i32>} : memref<512xi32, #tpu.memory_space<vmem>>, vector<16xi32>,
    %get3A_969 = vector.shape_cast %get3A_968 : vector<16xi32> to vector<16xi32>
    %shift_right_logical3A_970 = arith.constant 14 : i32
    %shift_right_logical3A_971 = vector.broadcast %shift_right_logical3A_970 : i32 to vector<16xi32>
    %shift_right_logical3A_972 = arith.shrui %get3A_969, %shift_right_logical3A_971 : vector<16xi32>
    %shift_left3A_973 = arith.constant 12 : i32
    %shift_left3A_974 = vector.broadcast %shift_left3A_973 : i32 to vector<16xi32>
    %shift_left3A_975 = arith.shli %shift_right_logical3A_972, %shift_left3A_974 : vector<16xi32>
    %and3A_976 = arith.constant 4095 : i32
    %and3A_977 = vector.broadcast %and3A_976 : i32 to vector<16xi32>
    %and3A_978 = arith.andi %get3A_969, %and3A_977 : vector<16xi32>
    %add3A_979 = arith.addi %shift_left3A_975, %and3A_978 : vector<16xi32>
    %swap3A_980 = arith.constant 448 : index
    %swap3A_981 = tpu.vector_load %arg9[%swap3A_980] {strides = array<i32>} : memref<512xi32, #tpu.memory_space<vmem>>, vector<16xi32>,
    %swap3A_982 = vector.shape_cast %swap3A_981 : vector<16xi32> to vector<16xi32>
    %swap3A_983 = vector.shape_cast %add3A_979 : vector<16xi32> to vector<16xi32>
    tpu.vector_store %arg9[%swap3A_980], %swap3A_983 {strides = array<i32>} : memref<512xi32, #tpu.memory_space<vmem>>, vector<16xi32>,
    %get3A_984 = arith.constant 464 : index
    %get3A_985 = tpu.vector_load %arg8[%get3A_984] {strides = array<i32>} : memref<512xi32, #tpu.memory_space<vmem>>, vector<16xi32>,
    %get3A_986 = vector.shape_cast %get3A_985 : vector<16xi32> to vector<16xi32>
    %shift_right_logical3A_987 = arith.constant 14 : i32
    %shift_right_logical3A_988 = vector.broadcast %shift_right_logical3A_987 : i32 to vector<16xi32>
    %shift_right_logical3A_989 = arith.shrui %get3A_986, %shift_right_logical3A_988 : vector<16xi32>
    %shift_left3A_990 = arith.constant 12 : i32
    %shift_left3A_991 = vector.broadcast %shift_left3A_990 : i32 to vector<16xi32>
    %shift_left3A_992 = arith.shli %shift_right_logical3A_989, %shift_left3A_991 : vector<16xi32>
    %and3A_993 = arith.constant 4095 : i32
    %and3A_994 = vector.broadcast %and3A_993 : i32 to vector<16xi32>
    %and3A_995 = arith.andi %get3A_986, %and3A_994 : vector<16xi32>
    %add3A_996 = arith.addi %shift_left3A_992, %and3A_995 : vector<16xi32>
    %swap3A_997 = arith.constant 464 : index
    %swap3A_998 = tpu.vector_load %arg8[%swap3A_997] {strides = array<i32>} : memref<512xi32, #tpu.memory_space<vmem>>, vector<16xi32>,
    %swap3A_999 = vector.shape_cast %swap3A_998 : vector<16xi32> to vector<16xi32>
    %swap3A_1000 = vector.shape_cast %add3A_996 : vector<16xi32> to vector<16xi32>
    tpu.vector_store %arg8[%swap3A_997], %swap3A_1000 {strides = array<i32>} : memref<512xi32, #tpu.memory_space<vmem>>, vector<16xi32>,
    %get3A_1001 = arith.constant 464 : index
    %get3A_1002 = tpu.vector_load %arg9[%get3A_1001] {strides = array<i32>} : memref<512xi32, #tpu.memory_space<vmem>>, vector<16xi32>,
    %get3A_1003 = vector.shape_cast %get3A_1002 : vector<16xi32> to vector<16xi32>
    %shift_right_logical3A_1004 = arith.constant 14 : i32
    %shift_right_logical3A_1005 = vector.broadcast %shift_right_logical3A_1004 : i32 to vector<16xi32>
    %shift_right_logical3A_1006 = arith.shrui %get3A_1003, %shift_right_logical3A_1005 : vector<16xi32>
    %shift_left3A_1007 = arith.constant 12 : i32
    %shift_left3A_1008 = vector.broadcast %shift_left3A_1007 : i32 to vector<16xi32>
    %shift_left3A_1009 = arith.shli %shift_right_logical3A_1006, %shift_left3A_1008 : vector<16xi32>
    %and3A_1010 = arith.constant 4095 : i32
    %and3A_1011 = vector.broadcast %and3A_1010 : i32 to vector<16xi32>
    %and3A_1012 = arith.andi %get3A_1003, %and3A_1011 : vector<16xi32>
    %add3A_1013 = arith.addi %shift_left3A_1009, %and3A_1012 : vector<16xi32>
    %swap3A_1014 = arith.constant 464 : index
    %swap3A_1015 = tpu.vector_load %arg9[%swap3A_1014] {strides = array<i32>} : memref<512xi32, #tpu.memory_space<vmem>>, vector<16xi32>,
    %swap3A_1016 = vector.shape_cast %swap3A_1015 : vector<16xi32> to vector<16xi32>
    %swap3A_1017 = vector.shape_cast %add3A_1013 : vector<16xi32> to vector<16xi32>
    tpu.vector_store %arg9[%swap3A_1014], %swap3A_1017 {strides = array<i32>} : memref<512xi32, #tpu.memory_space<vmem>>, vector<16xi32>,
    %get3A_1018 = arith.constant 480 : index
    %get3A_1019 = tpu.vector_load %arg8[%get3A_1018] {strides = array<i32>} : memref<512xi32, #tpu.memory_space<vmem>>, vector<16xi32>,
    %get3A_1020 = vector.shape_cast %get3A_1019 : vector<16xi32> to vector<16xi32>
    %shift_right_logical3A_1021 = arith.constant 14 : i32
    %shift_right_logical3A_1022 = vector.broadcast %shift_right_logical3A_1021 : i32 to vector<16xi32>
    %shift_right_logical3A_1023 = arith.shrui %get3A_1020, %shift_right_logical3A_1022 : vector<16xi32>
    %shift_left3A_1024 = arith.constant 12 : i32
    %shift_left3A_1025 = vector.broadcast %shift_left3A_1024 : i32 to vector<16xi32>
    %shift_left3A_1026 = arith.shli %shift_right_logical3A_1023, %shift_left3A_1025 : vector<16xi32>
    %and3A_1027 = arith.constant 4095 : i32
    %and3A_1028 = vector.broadcast %and3A_1027 : i32 to vector<16xi32>
    %and3A_1029 = arith.andi %get3A_1020, %and3A_1028 : vector<16xi32>
    %add3A_1030 = arith.addi %shift_left3A_1026, %and3A_1029 : vector<16xi32>
    %swap3A_1031 = arith.constant 480 : index
    %swap3A_1032 = tpu.vector_load %arg8[%swap3A_1031] {strides = array<i32>} : memref<512xi32, #tpu.memory_space<vmem>>, vector<16xi32>,
    %swap3A_1033 = vector.shape_cast %swap3A_1032 : vector<16xi32> to vector<16xi32>
    %swap3A_1034 = vector.shape_cast %add3A_1030 : vector<16xi32> to vector<16xi32>
    tpu.vector_store %arg8[%swap3A_1031], %swap3A_1034 {strides = array<i32>} : memref<512xi32, #tpu.memory_space<vmem>>, vector<16xi32>,
    %get3A_1035 = arith.constant 480 : index
    %get3A_1036 = tpu.vector_load %arg9[%get3A_1035] {strides = array<i32>} : memref<512xi32, #tpu.memory_space<vmem>>, vector<16xi32>,
    %get3A_1037 = vector.shape_cast %get3A_1036 : vector<16xi32> to vector<16xi32>
    %shift_right_logical3A_1038 = arith.constant 14 : i32
    %shift_right_logical3A_1039 = vector.broadcast %shift_right_logical3A_1038 : i32 to vector<16xi32>
    %shift_right_logical3A_1040 = arith.shrui %get3A_1037, %shift_right_logical3A_1039 : vector<16xi32>
    %shift_left3A_1041 = arith.constant 12 : i32
    %shift_left3A_1042 = vector.broadcast %shift_left3A_1041 : i32 to vector<16xi32>
    %shift_left3A_1043 = arith.shli %shift_right_logical3A_1040, %shift_left3A_1042 : vector<16xi32>
    %and3A_1044 = arith.constant 4095 : i32
    %and3A_1045 = vector.broadcast %and3A_1044 : i32 to vector<16xi32>
    %and3A_1046 = arith.andi %get3A_1037, %and3A_1045 : vector<16xi32>
    %add3A_1047 = arith.addi %shift_left3A_1043, %and3A_1046 : vector<16xi32>
    %swap3A_1048 = arith.constant 480 : index
    %swap3A_1049 = tpu.vector_load %arg9[%swap3A_1048] {strides = array<i32>} : memref<512xi32, #tpu.memory_space<vmem>>, vector<16xi32>,
    %swap3A_1050 = vector.shape_cast %swap3A_1049 : vector<16xi32> to vector<16xi32>
    %swap3A_1051 = vector.shape_cast %add3A_1047 : vector<16xi32> to vector<16xi32>
    tpu.vector_store %arg9[%swap3A_1048], %swap3A_1051 {strides = array<i32>} : memref<512xi32, #tpu.memory_space<vmem>>, vector<16xi32>,
    %get3A_1052 = arith.constant 496 : index
    %get3A_1053 = tpu.vector_load %arg8[%get3A_1052] {strides = array<i32>} : memref<512xi32, #tpu.memory_space<vmem>>, vector<16xi32>,
    %get3A_1054 = vector.shape_cast %get3A_1053 : vector<16xi32> to vector<16xi32>
    %shift_right_logical3A_1055 = arith.constant 14 : i32
    %shift_right_logical3A_1056 = vector.broadcast %shift_right_logical3A_1055 : i32 to vector<16xi32>
    %shift_right_logical3A_1057 = arith.shrui %get3A_1054, %shift_right_logical3A_1056 : vector<16xi32>
    %shift_left3A_1058 = arith.constant 12 : i32
    %shift_left3A_1059 = vector.broadcast %shift_left3A_1058 : i32 to vector<16xi32>
    %shift_left3A_1060 = arith.shli %shift_right_logical3A_1057, %shift_left3A_1059 : vector<16xi32>
    %and3A_1061 = arith.constant 4095 : i32
    %and3A_1062 = vector.broadcast %and3A_1061 : i32 to vector<16xi32>
    %and3A_1063 = arith.andi %get3A_1054, %and3A_1062 : vector<16xi32>
    %add3A_1064 = arith.addi %shift_left3A_1060, %and3A_1063 : vector<16xi32>
    %swap3A_1065 = arith.constant 496 : index
    %swap3A_1066 = tpu.vector_load %arg8[%swap3A_1065] {strides = array<i32>} : memref<512xi32, #tpu.memory_space<vmem>>, vector<16xi32>,
    %swap3A_1067 = vector.shape_cast %swap3A_1066 : vector<16xi32> to vector<16xi32>
    %swap3A_1068 = vector.shape_cast %add3A_1064 : vector<16xi32> to vector<16xi32>
    tpu.vector_store %arg8[%swap3A_1065], %swap3A_1068 {strides = array<i32>} : memref<512xi32, #tpu.memory_space<vmem>>, vector<16xi32>,
    %get3A_1069 = arith.constant 496 : index
    %get3A_1070 = tpu.vector_load %arg9[%get3A_1069] {strides = array<i32>} : memref<512xi32, #tpu.memory_space<vmem>>, vector<16xi32>,
    %get3A_1071 = vector.shape_cast %get3A_1070 : vector<16xi32> to vector<16xi32>
    %shift_right_logical3A_1072 = arith.constant 14 : i32
    %shift_right_logical3A_1073 = vector.broadcast %shift_right_logical3A_1072 : i32 to vector<16xi32>
    %shift_right_logical3A_1074 = arith.shrui %get3A_1071, %shift_right_logical3A_1073 : vector<16xi32>
    %shift_left3A_1075 = arith.constant 12 : i32
    %shift_left3A_1076 = vector.broadcast %shift_left3A_1075 : i32 to vector<16xi32>
    %shift_left3A_1077 = arith.shli %shift_right_logical3A_1074, %shift_left3A_1076 : vector<16xi32>
    %and3A_1078 = arith.constant 4095 : i32
    %and3A_1079 = vector.broadcast %and3A_1078 : i32 to vector<16xi32>
    %and3A_1080 = arith.andi %get3A_1071, %and3A_1079 : vector<16xi32>
    %add3A_1081 = arith.addi %shift_left3A_1077, %and3A_1080 : vector<16xi32>
    %swap3A_1082 = arith.constant 496 : index
    %swap3A_1083 = tpu.vector_load %arg9[%swap3A_1082] {strides = array<i32>} : memref<512xi32, #tpu.memory_space<vmem>>, vector<16xi32>,
    %swap3A_1084 = vector.shape_cast %swap3A_1083 : vector<16xi32> to vector<16xi32>
    %swap3A_1085 = vector.shape_cast %add3A_1081 : vector<16xi32> to vector<16xi32>
    tpu.vector_store %arg9[%swap3A_1082], %swap3A_1085 {strides = array<i32>} : memref<512xi32, #tpu.memory_space<vmem>>, vector<16xi32>,
    %dma_start3A = arith.constant 0 : i32
    %dma_start3A_1086 = tpu.memref_slice %arg8[%dma_start3A] : memref<512xi32, #tpu.memory_space<vmem>> -> memref<128xi32, #tpu.memory_space<vmem>>
    %dma_start3A_1087 = arith.constant 0 : i32
    %dma_start3A_1088 = arith.constant 0 : i32
    %dma_start3A_1089 = tpu.memref_slice %arg4[%dma_start3A_1087, %dma_start3A_1088] : memref<253952x128xf32, #tpu.memory_space<hbm>> -> memref<253952x128xf32, #tpu.memory_space<hbm>>
    tpu.enqueue_indirect_dma source(%dma_start3A_1089 : memref<253952x128xf32, #tpu.memory_space<hbm>>) target(%arg10 : memref<128x128xf32, #tpu.memory_space<vmem>>) offsets(%dma_start3A_1086 : memref<128xi32, #tpu.memory_space<vmem>>) semaphore(%arg14 : memref<!tpu.dma_semaphore, #tpu.memory_space<semaphore_mem>>)
    %dma_start3A_1090 = arith.constant 0 : i32
    %dma_start3A_1091 = tpu.memref_slice %arg9[%dma_start3A_1090] : memref<512xi32, #tpu.memory_space<vmem>> -> memref<128xi32, #tpu.memory_space<vmem>>
    %dma_start3A_1092 = arith.constant 0 : i32
    %dma_start3A_1093 = arith.constant 0 : i32
    %dma_start3A_1094 = tpu.memref_slice %arg5[%dma_start3A_1092, %dma_start3A_1093] : memref<28672x128xf32, #tpu.memory_space<hbm>> -> memref<28672x128xf32, #tpu.memory_space<hbm>>
    tpu.enqueue_indirect_dma source(%dma_start3A_1094 : memref<28672x128xf32, #tpu.memory_space<hbm>>) target(%arg12 : memref<128x128xf32, #tpu.memory_space<vmem>>) offsets(%dma_start3A_1091 : memref<128xi32, #tpu.memory_space<vmem>>) semaphore(%arg14 : memref<!tpu.dma_semaphore, #tpu.memory_space<semaphore_mem>>)
    %dma_wait3A = arith.constant 0 : i32
    %dma_wait3A_1095 = tpu.memref_slice %arg8[%dma_wait3A] : memref<512xi32, #tpu.memory_space<vmem>> -> memref<128xi32, #tpu.memory_space<vmem>>
    %dma_wait3A_1096 = arith.constant 0 : i32
    %dma_wait3A_1097 = arith.constant 0 : i32
    %dma_wait3A_1098 = tpu.memref_slice %arg4[%dma_wait3A_1096, %dma_wait3A_1097] : memref<253952x128xf32, #tpu.memory_space<hbm>> -> memref<253952x128xf32, #tpu.memory_space<hbm>>
    tpu.wait_indirect_dma semaphore(%arg14 : memref<!tpu.dma_semaphore, #tpu.memory_space<semaphore_mem>>) src(%dma_wait3A_1098 : memref<253952x128xf32, #tpu.memory_space<hbm>>) dst(%arg10 : memref<128x128xf32, #tpu.memory_space<vmem>>)
    %dma_wait3A_1099 = arith.constant 0 : i32
    %dma_wait3A_1100 = tpu.memref_slice %arg9[%dma_wait3A_1099] : memref<512xi32, #tpu.memory_space<vmem>> -> memref<128xi32, #tpu.memory_space<vmem>>
    %dma_wait3A_1101 = arith.constant 0 : i32
    %dma_wait3A_1102 = arith.constant 0 : i32
    %dma_wait3A_1103 = tpu.memref_slice %arg5[%dma_wait3A_1101, %dma_wait3A_1102] : memref<28672x128xf32, #tpu.memory_space<hbm>> -> memref<28672x128xf32, #tpu.memory_space<hbm>>
    tpu.wait_indirect_dma semaphore(%arg14 : memref<!tpu.dma_semaphore, #tpu.memory_space<semaphore_mem>>) src(%dma_wait3A_1103 : memref<28672x128xf32, #tpu.memory_space<hbm>>) dst(%arg12 : memref<128x128xf32, #tpu.memory_space<vmem>>)
    %add3A_1104 = arith.constant 0 : i32
    %add3A_1105 = arith.addi %mul3A_2, %add3A_1104 : i32
    %dma_start3A_1106 = arith.constant 0 : i32
    %dma_start3A_1107 = tpu.memref_slice %arg6[%add3A_1105, %dma_start3A_1106] : memref<16384x128xf32, #tpu.memory_space<hbm>> -> memref<128x128xf32, #tpu.memory_space<hbm>>
    %dma_start3A_1108 = arith.constant 0 : i32
    %dma_start3A_1109 = tpu.memref_slice %arg6[%add3A_1105, %dma_start3A_1108] : memref<16384x128xf32, #tpu.memory_space<hbm>> -> memref<128x128xf32, #tpu.memory_space<hbm>>
    tpu.enqueue_dma source(%arg10 : memref<128x128xf32, #tpu.memory_space<vmem>>) target(%dma_start3A_1109 : memref<128x128xf32, #tpu.memory_space<hbm>>) target_semaphore(%arg15 : memref<!tpu.dma_semaphore, #tpu.memory_space<semaphore_mem>>)
    %dma_start3A_1110 = arith.constant 0 : i32
    %dma_start3A_1111 = tpu.memref_slice %arg7[%add3A_1105, %dma_start3A_1110] : memref<16384x128xf32, #tpu.memory_space<hbm>> -> memref<128x128xf32, #tpu.memory_space<hbm>>
    %dma_start3A_1112 = arith.constant 0 : i32
    %dma_start3A_1113 = tpu.memref_slice %arg7[%add3A_1105, %dma_start3A_1112] : memref<16384x128xf32, #tpu.memory_space<hbm>> -> memref<128x128xf32, #tpu.memory_space<hbm>>
    tpu.enqueue_dma source(%arg12 : memref<128x128xf32, #tpu.memory_space<vmem>>) target(%dma_start3A_1113 : memref<128x128xf32, #tpu.memory_space<hbm>>) target_semaphore(%arg15 : memref<!tpu.dma_semaphore, #tpu.memory_space<semaphore_mem>>)
    %dma_start3A_1114 = arith.constant 128 : i32
    %dma_start3A_1115 = tpu.memref_slice %arg8[%dma_start3A_1114] : memref<512xi32, #tpu.memory_space<vmem>> -> memref<128xi32, #tpu.memory_space<vmem>>
    %dma_start3A_1116 = arith.constant 0 : i32
    %dma_start3A_1117 = arith.constant 0 : i32
    %dma_start3A_1118 = tpu.memref_slice %arg4[%dma_start3A_1116, %dma_start3A_1117] : memref<253952x128xf32, #tpu.memory_space<hbm>> -> memref<253952x128xf32, #tpu.memory_space<hbm>>
    tpu.enqueue_indirect_dma source(%dma_start3A_1118 : memref<253952x128xf32, #tpu.memory_space<hbm>>) target(%arg11 : memref<128x128xf32, #tpu.memory_space<vmem>>) offsets(%dma_start3A_1115 : memref<128xi32, #tpu.memory_space<vmem>>) semaphore(%arg14 : memref<!tpu.dma_semaphore, #tpu.memory_space<semaphore_mem>>)
    %dma_start3A_1119 = arith.constant 128 : i32
    %dma_start3A_1120 = tpu.memref_slice %arg9[%dma_start3A_1119] : memref<512xi32, #tpu.memory_space<vmem>> -> memref<128xi32, #tpu.memory_space<vmem>>
    %dma_start3A_1121 = arith.constant 0 : i32
    %dma_start3A_1122 = arith.constant 0 : i32
    %dma_start3A_1123 = tpu.memref_slice %arg5[%dma_start3A_1121, %dma_start3A_1122] : memref<28672x128xf32, #tpu.memory_space<hbm>> -> memref<28672x128xf32, #tpu.memory_space<hbm>>
    tpu.enqueue_indirect_dma source(%dma_start3A_1123 : memref<28672x128xf32, #tpu.memory_space<hbm>>) target(%arg13 : memref<128x128xf32, #tpu.memory_space<vmem>>) offsets(%dma_start3A_1120 : memref<128xi32, #tpu.memory_space<vmem>>) semaphore(%arg14 : memref<!tpu.dma_semaphore, #tpu.memory_space<semaphore_mem>>)
    %dma_wait3A_1124 = arith.constant 128 : i32
    %dma_wait3A_1125 = tpu.memref_slice %arg8[%dma_wait3A_1124] : memref<512xi32, #tpu.memory_space<vmem>> -> memref<128xi32, #tpu.memory_space<vmem>>
    %dma_wait3A_1126 = arith.constant 0 : i32
    %dma_wait3A_1127 = arith.constant 0 : i32
    %dma_wait3A_1128 = tpu.memref_slice %arg4[%dma_wait3A_1126, %dma_wait3A_1127] : memref<253952x128xf32, #tpu.memory_space<hbm>> -> memref<253952x128xf32, #tpu.memory_space<hbm>>
    tpu.wait_indirect_dma semaphore(%arg14 : memref<!tpu.dma_semaphore, #tpu.memory_space<semaphore_mem>>) src(%dma_wait3A_1128 : memref<253952x128xf32, #tpu.memory_space<hbm>>) dst(%arg11 : memref<128x128xf32, #tpu.memory_space<vmem>>)
    %dma_wait3A_1129 = arith.constant 128 : i32
    %dma_wait3A_1130 = tpu.memref_slice %arg9[%dma_wait3A_1129] : memref<512xi32, #tpu.memory_space<vmem>> -> memref<128xi32, #tpu.memory_space<vmem>>
    %dma_wait3A_1131 = arith.constant 0 : i32
    %dma_wait3A_1132 = arith.constant 0 : i32
    %dma_wait3A_1133 = tpu.memref_slice %arg5[%dma_wait3A_1131, %dma_wait3A_1132] : memref<28672x128xf32, #tpu.memory_space<hbm>> -> memref<28672x128xf32, #tpu.memory_space<hbm>>
    tpu.wait_indirect_dma semaphore(%arg14 : memref<!tpu.dma_semaphore, #tpu.memory_space<semaphore_mem>>) src(%dma_wait3A_1133 : memref<28672x128xf32, #tpu.memory_space<hbm>>) dst(%arg13 : memref<128x128xf32, #tpu.memory_space<vmem>>)
    %add3A_1134 = arith.constant 128 : i32
    %add3A_1135 = arith.addi %mul3A_2, %add3A_1134 : i32
    %dma_start3A_1136 = arith.constant 0 : i32
    %dma_start3A_1137 = tpu.memref_slice %arg6[%add3A_1135, %dma_start3A_1136] : memref<16384x128xf32, #tpu.memory_space<hbm>> -> memref<128x128xf32, #tpu.memory_space<hbm>>
    %dma_start3A_1138 = arith.constant 0 : i32
    %dma_start3A_1139 = tpu.memref_slice %arg6[%add3A_1135, %dma_start3A_1138] : memref<16384x128xf32, #tpu.memory_space<hbm>> -> memref<128x128xf32, #tpu.memory_space<hbm>>
    tpu.enqueue_dma source(%arg11 : memref<128x128xf32, #tpu.memory_space<vmem>>) target(%dma_start3A_1139 : memref<128x128xf32, #tpu.memory_space<hbm>>) target_semaphore(%arg15 : memref<!tpu.dma_semaphore, #tpu.memory_space<semaphore_mem>>)
    %dma_start3A_1140 = arith.constant 0 : i32
    %dma_start3A_1141 = tpu.memref_slice %arg7[%add3A_1135, %dma_start3A_1140] : memref<16384x128xf32, #tpu.memory_space<hbm>> -> memref<128x128xf32, #tpu.memory_space<hbm>>
    %dma_start3A_1142 = arith.constant 0 : i32
    %dma_start3A_1143 = tpu.memref_slice %arg7[%add3A_1135, %dma_start3A_1142] : memref<16384x128xf32, #tpu.memory_space<hbm>> -> memref<128x128xf32, #tpu.memory_space<hbm>>
    tpu.enqueue_dma source(%arg13 : memref<128x128xf32, #tpu.memory_space<vmem>>) target(%dma_start3A_1143 : memref<128x128xf32, #tpu.memory_space<hbm>>) target_semaphore(%arg15 : memref<!tpu.dma_semaphore, #tpu.memory_space<semaphore_mem>>)
    %dma_wait3A_1144 = arith.constant 0 : i32
    %dma_wait3A_1145 = tpu.memref_slice %arg6[%add3A_1105, %dma_wait3A_1144] : memref<16384x128xf32, #tpu.memory_space<hbm>> -> memref<128x128xf32, #tpu.memory_space<hbm>>
    %dma_wait3A_1146 = arith.constant 0 : i32
    %dma_wait3A_1147 = tpu.memref_slice %arg6[%add3A_1105, %dma_wait3A_1146] : memref<16384x128xf32, #tpu.memory_space<hbm>> -> memref<128x128xf32, #tpu.memory_space<hbm>>
    tpu.wait_dma2 semaphore(%arg15 : memref<!tpu.dma_semaphore, #tpu.memory_space<semaphore_mem>>) src(%arg10 : memref<128x128xf32, #tpu.memory_space<vmem>>) dst(%dma_wait3A_1147 : memref<128x128xf32, #tpu.memory_space<hbm>>)
    %dma_wait3A_1148 = arith.constant 0 : i32
    %dma_wait3A_1149 = tpu.memref_slice %arg7[%add3A_1105, %dma_wait3A_1148] : memref<16384x128xf32, #tpu.memory_space<hbm>> -> memref<128x128xf32, #tpu.memory_space<hbm>>
    %dma_wait3A_1150 = arith.constant 0 : i32
    %dma_wait3A_1151 = tpu.memref_slice %arg7[%add3A_1105, %dma_wait3A_1150] : memref<16384x128xf32, #tpu.memory_space<hbm>> -> memref<128x128xf32, #tpu.memory_space<hbm>>
    tpu.wait_dma2 semaphore(%arg15 : memref<!tpu.dma_semaphore, #tpu.memory_space<semaphore_mem>>) src(%arg12 : memref<128x128xf32, #tpu.memory_space<vmem>>) dst(%dma_wait3A_1151 : memref<128x128xf32, #tpu.memory_space<hbm>>)
    %dma_start3A_1152 = arith.constant 256 : i32
    %dma_start3A_1153 = tpu.memref_slice %arg8[%dma_start3A_1152] : memref<512xi32, #tpu.memory_space<vmem>> -> memref<128xi32, #tpu.memory_space<vmem>>
    %dma_start3A_1154 = arith.constant 0 : i32
    %dma_start3A_1155 = arith.constant 0 : i32
    %dma_start3A_1156 = tpu.memref_slice %arg4[%dma_start3A_1154, %dma_start3A_1155] : memref<253952x128xf32, #tpu.memory_space<hbm>> -> memref<253952x128xf32, #tpu.memory_space<hbm>>
    tpu.enqueue_indirect_dma source(%dma_start3A_1156 : memref<253952x128xf32, #tpu.memory_space<hbm>>) target(%arg10 : memref<128x128xf32, #tpu.memory_space<vmem>>) offsets(%dma_start3A_1153 : memref<128xi32, #tpu.memory_space<vmem>>) semaphore(%arg14 : memref<!tpu.dma_semaphore, #tpu.memory_space<semaphore_mem>>)
    %dma_start3A_1157 = arith.constant 256 : i32
    %dma_start3A_1158 = tpu.memref_slice %arg9[%dma_start3A_1157] : memref<512xi32, #tpu.memory_space<vmem>> -> memref<128xi32, #tpu.memory_space<vmem>>
    %dma_start3A_1159 = arith.constant 0 : i32
    %dma_start3A_1160 = arith.constant 0 : i32
    %dma_start3A_1161 = tpu.memref_slice %arg5[%dma_start3A_1159, %dma_start3A_1160] : memref<28672x128xf32, #tpu.memory_space<hbm>> -> memref<28672x128xf32, #tpu.memory_space<hbm>>
    tpu.enqueue_indirect_dma source(%dma_start3A_1161 : memref<28672x128xf32, #tpu.memory_space<hbm>>) target(%arg12 : memref<128x128xf32, #tpu.memory_space<vmem>>) offsets(%dma_start3A_1158 : memref<128xi32, #tpu.memory_space<vmem>>) semaphore(%arg14 : memref<!tpu.dma_semaphore, #tpu.memory_space<semaphore_mem>>)
    %dma_wait3A_1162 = arith.constant 256 : i32
    %dma_wait3A_1163 = tpu.memref_slice %arg8[%dma_wait3A_1162] : memref<512xi32, #tpu.memory_space<vmem>> -> memref<128xi32, #tpu.memory_space<vmem>>
    %dma_wait3A_1164 = arith.constant 0 : i32
    %dma_wait3A_1165 = arith.constant 0 : i32
    %dma_wait3A_1166 = tpu.memref_slice %arg4[%dma_wait3A_1164, %dma_wait3A_1165] : memref<253952x128xf32, #tpu.memory_space<hbm>> -> memref<253952x128xf32, #tpu.memory_space<hbm>>
    tpu.wait_indirect_dma semaphore(%arg14 : memref<!tpu.dma_semaphore, #tpu.memory_space<semaphore_mem>>) src(%dma_wait3A_1166 : memref<253952x128xf32, #tpu.memory_space<hbm>>) dst(%arg10 : memref<128x128xf32, #tpu.memory_space<vmem>>)
    %dma_wait3A_1167 = arith.constant 256 : i32
    %dma_wait3A_1168 = tpu.memref_slice %arg9[%dma_wait3A_1167] : memref<512xi32, #tpu.memory_space<vmem>> -> memref<128xi32, #tpu.memory_space<vmem>>
    %dma_wait3A_1169 = arith.constant 0 : i32
    %dma_wait3A_1170 = arith.constant 0 : i32
    %dma_wait3A_1171 = tpu.memref_slice %arg5[%dma_wait3A_1169, %dma_wait3A_1170] : memref<28672x128xf32, #tpu.memory_space<hbm>> -> memref<28672x128xf32, #tpu.memory_space<hbm>>
    tpu.wait_indirect_dma semaphore(%arg14 : memref<!tpu.dma_semaphore, #tpu.memory_space<semaphore_mem>>) src(%dma_wait3A_1171 : memref<28672x128xf32, #tpu.memory_space<hbm>>) dst(%arg12 : memref<128x128xf32, #tpu.memory_space<vmem>>)
    %add3A_1172 = arith.constant 256 : i32
    %add3A_1173 = arith.addi %mul3A_2, %add3A_1172 : i32
    %dma_start3A_1174 = arith.constant 0 : i32
    %dma_start3A_1175 = tpu.memref_slice %arg6[%add3A_1173, %dma_start3A_1174] : memref<16384x128xf32, #tpu.memory_space<hbm>> -> memref<128x128xf32, #tpu.memory_space<hbm>>
    %dma_start3A_1176 = arith.constant 0 : i32
    %dma_start3A_1177 = tpu.memref_slice %arg6[%add3A_1173, %dma_start3A_1176] : memref<16384x128xf32, #tpu.memory_space<hbm>> -> memref<128x128xf32, #tpu.memory_space<hbm>>
    tpu.enqueue_dma source(%arg10 : memref<128x128xf32, #tpu.memory_space<vmem>>) target(%dma_start3A_1177 : memref<128x128xf32, #tpu.memory_space<hbm>>) target_semaphore(%arg15 : memref<!tpu.dma_semaphore, #tpu.memory_space<semaphore_mem>>)
    %dma_start3A_1178 = arith.constant 0 : i32
    %dma_start3A_1179 = tpu.memref_slice %arg7[%add3A_1173, %dma_start3A_1178] : memref<16384x128xf32, #tpu.memory_space<hbm>> -> memref<128x128xf32, #tpu.memory_space<hbm>>
    %dma_start3A_1180 = arith.constant 0 : i32
    %dma_start3A_1181 = tpu.memref_slice %arg7[%add3A_1173, %dma_start3A_1180] : memref<16384x128xf32, #tpu.memory_space<hbm>> -> memref<128x128xf32, #tpu.memory_space<hbm>>
    tpu.enqueue_dma source(%arg12 : memref<128x128xf32, #tpu.memory_space<vmem>>) target(%dma_start3A_1181 : memref<128x128xf32, #tpu.memory_space<hbm>>) target_semaphore(%arg15 : memref<!tpu.dma_semaphore, #tpu.memory_space<semaphore_mem>>)
    %dma_wait3A_1182 = arith.constant 0 : i32
    %dma_wait3A_1183 = tpu.memref_slice %arg6[%add3A_1135, %dma_wait3A_1182] : memref<16384x128xf32, #tpu.memory_space<hbm>> -> memref<128x128xf32, #tpu.memory_space<hbm>>
    %dma_wait3A_1184 = arith.constant 0 : i32
    %dma_wait3A_1185 = tpu.memref_slice %arg6[%add3A_1135, %dma_wait3A_1184] : memref<16384x128xf32, #tpu.memory_space<hbm>> -> memref<128x128xf32, #tpu.memory_space<hbm>>
    tpu.wait_dma2 semaphore(%arg15 : memref<!tpu.dma_semaphore, #tpu.memory_space<semaphore_mem>>) src(%arg11 : memref<128x128xf32, #tpu.memory_space<vmem>>) dst(%dma_wait3A_1185 : memref<128x128xf32, #tpu.memory_space<hbm>>)
    %dma_wait3A_1186 = arith.constant 0 : i32
    %dma_wait3A_1187 = tpu.memref_slice %arg7[%add3A_1135, %dma_wait3A_1186] : memref<16384x128xf32, #tpu.memory_space<hbm>> -> memref<128x128xf32, #tpu.memory_space<hbm>>
    %dma_wait3A_1188 = arith.constant 0 : i32
    %dma_wait3A_1189 = tpu.memref_slice %arg7[%add3A_1135, %dma_wait3A_1188] : memref<16384x128xf32, #tpu.memory_space<hbm>> -> memref<128x128xf32, #tpu.memory_space<hbm>>
    tpu.wait_dma2 semaphore(%arg15 : memref<!tpu.dma_semaphore, #tpu.memory_space<semaphore_mem>>) src(%arg13 : memref<128x128xf32, #tpu.memory_space<vmem>>) dst(%dma_wait3A_1189 : memref<128x128xf32, #tpu.memory_space<hbm>>)
    %dma_start3A_1190 = arith.constant 384 : i32
    %dma_start3A_1191 = tpu.memref_slice %arg8[%dma_start3A_1190] : memref<512xi32, #tpu.memory_space<vmem>> -> memref<128xi32, #tpu.memory_space<vmem>>
    %dma_start3A_1192 = arith.constant 0 : i32
    %dma_start3A_1193 = arith.constant 0 : i32
    %dma_start3A_1194 = tpu.memref_slice %arg4[%dma_start3A_1192, %dma_start3A_1193] : memref<253952x128xf32, #tpu.memory_space<hbm>> -> memref<253952x128xf32, #tpu.memory_space<hbm>>
    tpu.enqueue_indirect_dma source(%dma_start3A_1194 : memref<253952x128xf32, #tpu.memory_space<hbm>>) target(%arg11 : memref<128x128xf32, #tpu.memory_space<vmem>>) offsets(%dma_start3A_1191 : memref<128xi32, #tpu.memory_space<vmem>>) semaphore(%arg14 : memref<!tpu.dma_semaphore, #tpu.memory_space<semaphore_mem>>)
    %dma_start3A_1195 = arith.constant 384 : i32
    %dma_start3A_1196 = tpu.memref_slice %arg9[%dma_start3A_1195] : memref<512xi32, #tpu.memory_space<vmem>> -> memref<128xi32, #tpu.memory_space<vmem>>
    %dma_start3A_1197 = arith.constant 0 : i32
    %dma_start3A_1198 = arith.constant 0 : i32
    %dma_start3A_1199 = tpu.memref_slice %arg5[%dma_start3A_1197, %dma_start3A_1198] : memref<28672x128xf32, #tpu.memory_space<hbm>> -> memref<28672x128xf32, #tpu.memory_space<hbm>>
    tpu.enqueue_indirect_dma source(%dma_start3A_1199 : memref<28672x128xf32, #tpu.memory_space<hbm>>) target(%arg13 : memref<128x128xf32, #tpu.memory_space<vmem>>) offsets(%dma_start3A_1196 : memref<128xi32, #tpu.memory_space<vmem>>) semaphore(%arg14 : memref<!tpu.dma_semaphore, #tpu.memory_space<semaphore_mem>>)
    %dma_wait3A_1200 = arith.constant 384 : i32
    %dma_wait3A_1201 = tpu.memref_slice %arg8[%dma_wait3A_1200] : memref<512xi32, #tpu.memory_space<vmem>> -> memref<128xi32, #tpu.memory_space<vmem>>
    %dma_wait3A_1202 = arith.constant 0 : i32
    %dma_wait3A_1203 = arith.constant 0 : i32
    %dma_wait3A_1204 = tpu.memref_slice %arg4[%dma_wait3A_1202, %dma_wait3A_1203] : memref<253952x128xf32, #tpu.memory_space<hbm>> -> memref<253952x128xf32, #tpu.memory_space<hbm>>
    tpu.wait_indirect_dma semaphore(%arg14 : memref<!tpu.dma_semaphore, #tpu.memory_space<semaphore_mem>>) src(%dma_wait3A_1204 : memref<253952x128xf32, #tpu.memory_space<hbm>>) dst(%arg11 : memref<128x128xf32, #tpu.memory_space<vmem>>)
    %dma_wait3A_1205 = arith.constant 384 : i32
    %dma_wait3A_1206 = tpu.memref_slice %arg9[%dma_wait3A_1205] : memref<512xi32, #tpu.memory_space<vmem>> -> memref<128xi32, #tpu.memory_space<vmem>>
    %dma_wait3A_1207 = arith.constant 0 : i32
    %dma_wait3A_1208 = arith.constant 0 : i32
    %dma_wait3A_1209 = tpu.memref_slice %arg5[%dma_wait3A_1207, %dma_wait3A_1208] : memref<28672x128xf32, #tpu.memory_space<hbm>> -> memref<28672x128xf32, #tpu.memory_space<hbm>>
    tpu.wait_indirect_dma semaphore(%arg14 : memref<!tpu.dma_semaphore, #tpu.memory_space<semaphore_mem>>) src(%dma_wait3A_1209 : memref<28672x128xf32, #tpu.memory_space<hbm>>) dst(%arg13 : memref<128x128xf32, #tpu.memory_space<vmem>>)
    %add3A_1210 = arith.constant 384 : i32
    %add3A_1211 = arith.addi %mul3A_2, %add3A_1210 : i32
    %dma_start3A_1212 = arith.constant 0 : i32
    %dma_start3A_1213 = tpu.memref_slice %arg6[%add3A_1211, %dma_start3A_1212] : memref<16384x128xf32, #tpu.memory_space<hbm>> -> memref<128x128xf32, #tpu.memory_space<hbm>>
    %dma_start3A_1214 = arith.constant 0 : i32
    %dma_start3A_1215 = tpu.memref_slice %arg6[%add3A_1211, %dma_start3A_1214] : memref<16384x128xf32, #tpu.memory_space<hbm>> -> memref<128x128xf32, #tpu.memory_space<hbm>>
    tpu.enqueue_dma source(%arg11 : memref<128x128xf32, #tpu.memory_space<vmem>>) target(%dma_start3A_1215 : memref<128x128xf32, #tpu.memory_space<hbm>>) target_semaphore(%arg15 : memref<!tpu.dma_semaphore, #tpu.memory_space<semaphore_mem>>)
    %dma_start3A_1216 = arith.constant 0 : i32
    %dma_start3A_1217 = tpu.memref_slice %arg7[%add3A_1211, %dma_start3A_1216] : memref<16384x128xf32, #tpu.memory_space<hbm>> -> memref<128x128xf32, #tpu.memory_space<hbm>>
    %dma_start3A_1218 = arith.constant 0 : i32
    %dma_start3A_1219 = tpu.memref_slice %arg7[%add3A_1211, %dma_start3A_1218] : memref<16384x128xf32, #tpu.memory_space<hbm>> -> memref<128x128xf32, #tpu.memory_space<hbm>>
    tpu.enqueue_dma source(%arg13 : memref<128x128xf32, #tpu.memory_space<vmem>>) target(%dma_start3A_1219 : memref<128x128xf32, #tpu.memory_space<hbm>>) target_semaphore(%arg15 : memref<!tpu.dma_semaphore, #tpu.memory_space<semaphore_mem>>)
    %dma_wait3A_1220 = arith.constant 0 : i32
    %dma_wait3A_1221 = tpu.memref_slice %arg6[%add3A_1173, %dma_wait3A_1220] : memref<16384x128xf32, #tpu.memory_space<hbm>> -> memref<128x128xf32, #tpu.memory_space<hbm>>
    %dma_wait3A_1222 = arith.constant 0 : i32
    %dma_wait3A_1223 = tpu.memref_slice %arg6[%add3A_1173, %dma_wait3A_1222] : memref<16384x128xf32, #tpu.memory_space<hbm>> -> memref<128x128xf32, #tpu.memory_space<hbm>>
    tpu.wait_dma2 semaphore(%arg15 : memref<!tpu.dma_semaphore, #tpu.memory_space<semaphore_mem>>) src(%arg10 : memref<128x128xf32, #tpu.memory_space<vmem>>) dst(%dma_wait3A_1223 : memref<128x128xf32, #tpu.memory_space<hbm>>)
    %dma_wait3A_1224 = arith.constant 0 : i32
    %dma_wait3A_1225 = tpu.memref_slice %arg7[%add3A_1173, %dma_wait3A_1224] : memref<16384x128xf32, #tpu.memory_space<hbm>> -> memref<128x128xf32, #tpu.memory_space<hbm>>
    %dma_wait3A_1226 = arith.constant 0 : i32
    %dma_wait3A_1227 = tpu.memref_slice %arg7[%add3A_1173, %dma_wait3A_1226] : memref<16384x128xf32, #tpu.memory_space<hbm>> -> memref<128x128xf32, #tpu.memory_space<hbm>>
    tpu.wait_dma2 semaphore(%arg15 : memref<!tpu.dma_semaphore, #tpu.memory_space<semaphore_mem>>) src(%arg12 : memref<128x128xf32, #tpu.memory_space<vmem>>) dst(%dma_wait3A_1227 : memref<128x128xf32, #tpu.memory_space<hbm>>)
    %dma_wait3A_1228 = arith.constant 0 : i32
    %dma_wait3A_1229 = tpu.memref_slice %arg6[%add3A_1211, %dma_wait3A_1228] : memref<16384x128xf32, #tpu.memory_space<hbm>> -> memref<128x128xf32, #tpu.memory_space<hbm>>
    %dma_wait3A_1230 = arith.constant 0 : i32
    %dma_wait3A_1231 = tpu.memref_slice %arg6[%add3A_1211, %dma_wait3A_1230] : memref<16384x128xf32, #tpu.memory_space<hbm>> -> memref<128x128xf32, #tpu.memory_space<hbm>>
    tpu.wait_dma2 semaphore(%arg15 : memref<!tpu.dma_semaphore, #tpu.memory_space<semaphore_mem>>) src(%arg11 : memref<128x128xf32, #tpu.memory_space<vmem>>) dst(%dma_wait3A_1231 : memref<128x128xf32, #tpu.memory_space<hbm>>)
    %dma_wait3A_1232 = arith.constant 0 : i32
    %dma_wait3A_1233 = tpu.memref_slice %arg7[%add3A_1211, %dma_wait3A_1232] : memref<16384x128xf32, #tpu.memory_space<hbm>> -> memref<128x128xf32, #tpu.memory_space<hbm>>
    %dma_wait3A_1234 = arith.constant 0 : i32
    %dma_wait3A_1235 = tpu.memref_slice %arg7[%add3A_1211, %dma_wait3A_1234] : memref<16384x128xf32, #tpu.memory_space<hbm>> -> memref<128x128xf32, #tpu.memory_space<hbm>>
    tpu.wait_dma2 semaphore(%arg15 : memref<!tpu.dma_semaphore, #tpu.memory_space<semaphore_mem>>) src(%arg13 : memref<128x128xf32, #tpu.memory_space<vmem>>) dst(%dma_wait3A_1235 : memref<128x128xf32, #tpu.memory_space<hbm>>)
    return
  }
}

module attributes {stable_mosaic.version = 14 : i64} {
  func.func @_repack_body(%arg0: i32, %arg1: memref<32x16384xf32, #tpu.memory_space<vmem>>, %arg2: memref<4096x128xf32, #tpu.memory_space<vmem>>) attributes {dimension_semantics = [#tpu.dimension_semantics<arbitrary>], iteration_bounds = array<i64: 7>, scalar_prefetch = 0 : i64, scratch_operands = 0 : i64, tpu.core_type = #tpu.core_type<tc>, window_params = [{transform_indices = @transform_0, window_bounds = array<i64: 32, 16384>}, {transform_indices = @transform_1, window_bounds = array<i64: 4096, 128>}]} {
    %iota3A = tpu.iota {dimensions = array<i32: 0>} : vector<32x128xi32>
    %iota3A_0 = tpu.iota {dimensions = array<i32: 1>} : vector<32x128xi32>
    %get3A = arith.constant 0 : index
    %get3A_1 = arith.constant 0 : index
    %get3A_2 = vector.load %arg1[%get3A, %get3A_1] : memref<32x16384xf32, #tpu.memory_space<vmem>>, vector<32x16384xf32>
    %convert_element_type3A = arith.truncf %get3A_2 : vector<32x16384xf32> to vector<32x16384xbf16>
    %sub3A = arith.constant 0 : i32
    %sub3A_3 = vector.broadcast %sub3A : i32 to vector<32x128xi32>
    %sub3A_4 = arith.subi %iota3A_0, %sub3A_3 : vector<32x128xi32>
    %eq3A = arith.cmpi eq, %sub3A_4, %iota3A : vector<32x128xi32>
    %jit3A = arith.constant 1.000000e+00 : f32
    %jit3A_5 = arith.constant 0.000000e+00 : f32
    %broadcast_in_dim3A = vector.broadcast %jit3A : f32 to vector<32x128xf32>
    %broadcast_in_dim3A_6 = vector.broadcast %jit3A_5 : f32 to vector<32x128xf32>
    %select_n3A = arith.select %eq3A, %broadcast_in_dim3A, %broadcast_in_dim3A_6 : vector<32x128xi1>, vector<32x128xf32>
    %convert_element_type3A_7 = arith.truncf %select_n3A : vector<32x128xf32> to vector<32x128xbf16>
    %slice3A = vector.extract_strided_slice %convert_element_type3A {offsets = [0, 0], sizes = [32, 4096], strides = [1, 1]} : vector<32x16384xbf16> to vector<32x4096xbf16>
    %dot_general3A = arith.constant dense<0.000000e+00> : vector<4096x128xf32>
    %dot_general3A_8 = tpu.matmul %slice3A, %convert_element_type3A_7, %dot_general3A {dimension_numbers = #tpu.dot_dimension_numbers<[0], [0], [1], [1], [0, 1, 1, 1], [], []>, transpose_lhs_hint = true} : vector<32x4096xbf16>, vector<32x128xbf16>, vector<4096x128xf32> -> vector<4096x128xf32>
    %sub3A_9 = arith.constant 32 : i32
    %sub3A_10 = vector.broadcast %sub3A_9 : i32 to vector<32x128xi32>
    %sub3A_11 = arith.subi %iota3A_0, %sub3A_10 : vector<32x128xi32>
    %eq3A_12 = arith.cmpi eq, %sub3A_11, %iota3A : vector<32x128xi32>
    %jit3A_13 = arith.constant 1.000000e+00 : f32
    %jit3A_14 = arith.constant 0.000000e+00 : f32
    %broadcast_in_dim3A_15 = vector.broadcast %jit3A_13 : f32 to vector<32x128xf32>
    %broadcast_in_dim3A_16 = vector.broadcast %jit3A_14 : f32 to vector<32x128xf32>
    %select_n3A_17 = arith.select %eq3A_12, %broadcast_in_dim3A_15, %broadcast_in_dim3A_16 : vector<32x128xi1>, vector<32x128xf32>
    %convert_element_type3A_18 = arith.truncf %select_n3A_17 : vector<32x128xf32> to vector<32x128xbf16>
    %slice3A_19 = vector.extract_strided_slice %convert_element_type3A {offsets = [0, 4096], sizes = [32, 4096], strides = [1, 1]} : vector<32x16384xbf16> to vector<32x4096xbf16>
    %dot_general3A_20 = arith.constant dense<0.000000e+00> : vector<4096x128xf32>
    %dot_general3A_21 = tpu.matmul %slice3A_19, %convert_element_type3A_18, %dot_general3A_20 {dimension_numbers = #tpu.dot_dimension_numbers<[0], [0], [1], [1], [0, 1, 1, 1], [], []>, transpose_lhs_hint = true} : vector<32x4096xbf16>, vector<32x128xbf16>, vector<4096x128xf32> -> vector<4096x128xf32>
    %add3A = arith.addf %dot_general3A_8, %dot_general3A_21 : vector<4096x128xf32>
    %sub3A_22 = arith.constant 64 : i32
    %sub3A_23 = vector.broadcast %sub3A_22 : i32 to vector<32x128xi32>
    %sub3A_24 = arith.subi %iota3A_0, %sub3A_23 : vector<32x128xi32>
    %eq3A_25 = arith.cmpi eq, %sub3A_24, %iota3A : vector<32x128xi32>
    %jit3A_26 = arith.constant 1.000000e+00 : f32
    %jit3A_27 = arith.constant 0.000000e+00 : f32
    %broadcast_in_dim3A_28 = vector.broadcast %jit3A_26 : f32 to vector<32x128xf32>
    %broadcast_in_dim3A_29 = vector.broadcast %jit3A_27 : f32 to vector<32x128xf32>
    %select_n3A_30 = arith.select %eq3A_25, %broadcast_in_dim3A_28, %broadcast_in_dim3A_29 : vector<32x128xi1>, vector<32x128xf32>
    %convert_element_type3A_31 = arith.truncf %select_n3A_30 : vector<32x128xf32> to vector<32x128xbf16>
    %slice3A_32 = vector.extract_strided_slice %convert_element_type3A {offsets = [0, 8192], sizes = [32, 4096], strides = [1, 1]} : vector<32x16384xbf16> to vector<32x4096xbf16>
    %dot_general3A_33 = arith.constant dense<0.000000e+00> : vector<4096x128xf32>
    %dot_general3A_34 = tpu.matmul %slice3A_32, %convert_element_type3A_31, %dot_general3A_33 {dimension_numbers = #tpu.dot_dimension_numbers<[0], [0], [1], [1], [0, 1, 1, 1], [], []>, transpose_lhs_hint = true} : vector<32x4096xbf16>, vector<32x128xbf16>, vector<4096x128xf32> -> vector<4096x128xf32>
    %add3A_35 = arith.addf %add3A, %dot_general3A_34 : vector<4096x128xf32>
    %sub3A_36 = arith.constant 96 : i32
    %sub3A_37 = vector.broadcast %sub3A_36 : i32 to vector<32x128xi32>
    %sub3A_38 = arith.subi %iota3A_0, %sub3A_37 : vector<32x128xi32>
    %eq3A_39 = arith.cmpi eq, %sub3A_38, %iota3A : vector<32x128xi32>
    %jit3A_40 = arith.constant 1.000000e+00 : f32
    %jit3A_41 = arith.constant 0.000000e+00 : f32
    %broadcast_in_dim3A_42 = vector.broadcast %jit3A_40 : f32 to vector<32x128xf32>
    %broadcast_in_dim3A_43 = vector.broadcast %jit3A_41 : f32 to vector<32x128xf32>
    %select_n3A_44 = arith.select %eq3A_39, %broadcast_in_dim3A_42, %broadcast_in_dim3A_43 : vector<32x128xi1>, vector<32x128xf32>
    %convert_element_type3A_45 = arith.truncf %select_n3A_44 : vector<32x128xf32> to vector<32x128xbf16>
    %slice3A_46 = vector.extract_strided_slice %convert_element_type3A {offsets = [0, 12288], sizes = [32, 4096], strides = [1, 1]} : vector<32x16384xbf16> to vector<32x4096xbf16>
    %dot_general3A_47 = arith.constant dense<0.000000e+00> : vector<4096x128xf32>
    %dot_general3A_48 = tpu.matmul %slice3A_46, %convert_element_type3A_45, %dot_general3A_47 {dimension_numbers = #tpu.dot_dimension_numbers<[0], [0], [1], [1], [0, 1, 1, 1], [], []>, transpose_lhs_hint = true} : vector<32x4096xbf16>, vector<32x128xbf16>, vector<4096x128xf32> -> vector<4096x128xf32>
    %add3A_49 = arith.addf %add3A_35, %dot_general3A_48 : vector<4096x128xf32>
    %swap3A = arith.constant 0 : index
    %swap3A_50 = arith.constant 0 : index
    %swap3A_51 = vector.load %arg2[%swap3A, %swap3A_50] : memref<4096x128xf32, #tpu.memory_space<vmem>>, vector<4096x128xf32>
    tpu.vector_store %arg2[%swap3A, %swap3A_50], %add3A_49 {strides = array<i32>} : memref<4096x128xf32, #tpu.memory_space<vmem>>, vector<4096x128xf32>,
    return
  }
  func.func @transform_0(%arg0: i32) -> (i32, i32) {
    %c0_i32 = arith.constant 0 : i32
    %c0_i32_0 = arith.constant 0 : i32
    return %c0_i32, %arg0 : i32, i32
  }
  func.func @transform_1(%arg0: i32) -> (i32, i32) {
    %c0_i32 = arith.constant 0 : i32
    %c0_i32_0 = arith.constant 0 : i32
    return %arg0, %c0_i32 : i32, i32
  }
}

module attributes {stable_mosaic.version = 14 : i64} {
  func.func @_repack_body(%arg0: i32, %arg1: memref<32x16384xf32, #tpu.memory_space<vmem>>, %arg2: memref<4096x128xf32, #tpu.memory_space<vmem>>) attributes {dimension_semantics = [#tpu.dimension_semantics<arbitrary>], iteration_bounds = array<i64: 62>, scalar_prefetch = 0 : i64, scratch_operands = 0 : i64, tpu.core_type = #tpu.core_type<tc>, window_params = [{transform_indices = @transform_0, window_bounds = array<i64: 32, 16384>}, {transform_indices = @transform_1, window_bounds = array<i64: 4096, 128>}]} {
    %iota3A = tpu.iota {dimensions = array<i32: 0>} : vector<32x128xi32>
    %iota3A_0 = tpu.iota {dimensions = array<i32: 1>} : vector<32x128xi32>
    %get3A = arith.constant 0 : index
    %get3A_1 = arith.constant 0 : index
    %get3A_2 = vector.load %arg1[%get3A, %get3A_1] : memref<32x16384xf32, #tpu.memory_space<vmem>>, vector<32x16384xf32>
    %convert_element_type3A = arith.truncf %get3A_2 : vector<32x16384xf32> to vector<32x16384xbf16>
    %sub3A = arith.constant 0 : i32
    %sub3A_3 = vector.broadcast %sub3A : i32 to vector<32x128xi32>
    %sub3A_4 = arith.subi %iota3A_0, %sub3A_3 : vector<32x128xi32>
    %eq3A = arith.cmpi eq, %sub3A_4, %iota3A : vector<32x128xi32>
    %jit3A = arith.constant 1.000000e+00 : f32
    %jit3A_5 = arith.constant 0.000000e+00 : f32
    %broadcast_in_dim3A = vector.broadcast %jit3A : f32 to vector<32x128xf32>
    %broadcast_in_dim3A_6 = vector.broadcast %jit3A_5 : f32 to vector<32x128xf32>
    %select_n3A = arith.select %eq3A, %broadcast_in_dim3A, %broadcast_in_dim3A_6 : vector<32x128xi1>, vector<32x128xf32>
    %convert_element_type3A_7 = arith.truncf %select_n3A : vector<32x128xf32> to vector<32x128xbf16>
    %slice3A = vector.extract_strided_slice %convert_element_type3A {offsets = [0, 0], sizes = [32, 4096], strides = [1, 1]} : vector<32x16384xbf16> to vector<32x4096xbf16>
    %dot_general3A = arith.constant dense<0.000000e+00> : vector<4096x128xf32>
    %dot_general3A_8 = tpu.matmul %slice3A, %convert_element_type3A_7, %dot_general3A {dimension_numbers = #tpu.dot_dimension_numbers<[0], [0], [1], [1], [0, 1, 1, 1], [], []>, transpose_lhs_hint = true} : vector<32x4096xbf16>, vector<32x128xbf16>, vector<4096x128xf32> -> vector<4096x128xf32>
    %sub3A_9 = arith.constant 32 : i32
    %sub3A_10 = vector.broadcast %sub3A_9 : i32 to vector<32x128xi32>
    %sub3A_11 = arith.subi %iota3A_0, %sub3A_10 : vector<32x128xi32>
    %eq3A_12 = arith.cmpi eq, %sub3A_11, %iota3A : vector<32x128xi32>
    %jit3A_13 = arith.constant 1.000000e+00 : f32
    %jit3A_14 = arith.constant 0.000000e+00 : f32
    %broadcast_in_dim3A_15 = vector.broadcast %jit3A_13 : f32 to vector<32x128xf32>
    %broadcast_in_dim3A_16 = vector.broadcast %jit3A_14 : f32 to vector<32x128xf32>
    %select_n3A_17 = arith.select %eq3A_12, %broadcast_in_dim3A_15, %broadcast_in_dim3A_16 : vector<32x128xi1>, vector<32x128xf32>
    %convert_element_type3A_18 = arith.truncf %select_n3A_17 : vector<32x128xf32> to vector<32x128xbf16>
    %slice3A_19 = vector.extract_strided_slice %convert_element_type3A {offsets = [0, 4096], sizes = [32, 4096], strides = [1, 1]} : vector<32x16384xbf16> to vector<32x4096xbf16>
    %dot_general3A_20 = arith.constant dense<0.000000e+00> : vector<4096x128xf32>
    %dot_general3A_21 = tpu.matmul %slice3A_19, %convert_element_type3A_18, %dot_general3A_20 {dimension_numbers = #tpu.dot_dimension_numbers<[0], [0], [1], [1], [0, 1, 1, 1], [], []>, transpose_lhs_hint = true} : vector<32x4096xbf16>, vector<32x128xbf16>, vector<4096x128xf32> -> vector<4096x128xf32>
    %add3A = arith.addf %dot_general3A_8, %dot_general3A_21 : vector<4096x128xf32>
    %sub3A_22 = arith.constant 64 : i32
    %sub3A_23 = vector.broadcast %sub3A_22 : i32 to vector<32x128xi32>
    %sub3A_24 = arith.subi %iota3A_0, %sub3A_23 : vector<32x128xi32>
    %eq3A_25 = arith.cmpi eq, %sub3A_24, %iota3A : vector<32x128xi32>
    %jit3A_26 = arith.constant 1.000000e+00 : f32
    %jit3A_27 = arith.constant 0.000000e+00 : f32
    %broadcast_in_dim3A_28 = vector.broadcast %jit3A_26 : f32 to vector<32x128xf32>
    %broadcast_in_dim3A_29 = vector.broadcast %jit3A_27 : f32 to vector<32x128xf32>
    %select_n3A_30 = arith.select %eq3A_25, %broadcast_in_dim3A_28, %broadcast_in_dim3A_29 : vector<32x128xi1>, vector<32x128xf32>
    %convert_element_type3A_31 = arith.truncf %select_n3A_30 : vector<32x128xf32> to vector<32x128xbf16>
    %slice3A_32 = vector.extract_strided_slice %convert_element_type3A {offsets = [0, 8192], sizes = [32, 4096], strides = [1, 1]} : vector<32x16384xbf16> to vector<32x4096xbf16>
    %dot_general3A_33 = arith.constant dense<0.000000e+00> : vector<4096x128xf32>
    %dot_general3A_34 = tpu.matmul %slice3A_32, %convert_element_type3A_31, %dot_general3A_33 {dimension_numbers = #tpu.dot_dimension_numbers<[0], [0], [1], [1], [0, 1, 1, 1], [], []>, transpose_lhs_hint = true} : vector<32x4096xbf16>, vector<32x128xbf16>, vector<4096x128xf32> -> vector<4096x128xf32>
    %add3A_35 = arith.addf %add3A, %dot_general3A_34 : vector<4096x128xf32>
    %sub3A_36 = arith.constant 96 : i32
    %sub3A_37 = vector.broadcast %sub3A_36 : i32 to vector<32x128xi32>
    %sub3A_38 = arith.subi %iota3A_0, %sub3A_37 : vector<32x128xi32>
    %eq3A_39 = arith.cmpi eq, %sub3A_38, %iota3A : vector<32x128xi32>
    %jit3A_40 = arith.constant 1.000000e+00 : f32
    %jit3A_41 = arith.constant 0.000000e+00 : f32
    %broadcast_in_dim3A_42 = vector.broadcast %jit3A_40 : f32 to vector<32x128xf32>
    %broadcast_in_dim3A_43 = vector.broadcast %jit3A_41 : f32 to vector<32x128xf32>
    %select_n3A_44 = arith.select %eq3A_39, %broadcast_in_dim3A_42, %broadcast_in_dim3A_43 : vector<32x128xi1>, vector<32x128xf32>
    %convert_element_type3A_45 = arith.truncf %select_n3A_44 : vector<32x128xf32> to vector<32x128xbf16>
    %slice3A_46 = vector.extract_strided_slice %convert_element_type3A {offsets = [0, 12288], sizes = [32, 4096], strides = [1, 1]} : vector<32x16384xbf16> to vector<32x4096xbf16>
    %dot_general3A_47 = arith.constant dense<0.000000e+00> : vector<4096x128xf32>
    %dot_general3A_48 = tpu.matmul %slice3A_46, %convert_element_type3A_45, %dot_general3A_47 {dimension_numbers = #tpu.dot_dimension_numbers<[0], [0], [1], [1], [0, 1, 1, 1], [], []>, transpose_lhs_hint = true} : vector<32x4096xbf16>, vector<32x128xbf16>, vector<4096x128xf32> -> vector<4096x128xf32>
    %add3A_49 = arith.addf %add3A_35, %dot_general3A_48 : vector<4096x128xf32>
    %swap3A = arith.constant 0 : index
    %swap3A_50 = arith.constant 0 : index
    %swap3A_51 = vector.load %arg2[%swap3A, %swap3A_50] : memref<4096x128xf32, #tpu.memory_space<vmem>>, vector<4096x128xf32>
    tpu.vector_store %arg2[%swap3A, %swap3A_50], %add3A_49 {strides = array<i32>} : memref<4096x128xf32, #tpu.memory_space<vmem>>, vector<4096x128xf32>,
    return
  }
  func.func @transform_0(%arg0: i32) -> (i32, i32) {
    %c0_i32 = arith.constant 0 : i32
    %c0_i32_0 = arith.constant 0 : i32
    return %c0_i32, %arg0 : i32, i32
  }
  func.func @transform_1(%arg0: i32) -> (i32, i32) {
    %c0_i32 = arith.constant 0 : i32
    %c0_i32_0 = arith.constant 0 : i32
    return %arg0, %c0_i32 : i32, i32
  }
}

module attributes {stable_mosaic.version = 14 : i64} {
  func.func @_mlp_body(%arg0: i32, %arg1: memref<2048x128xf32, #tpu.memory_space<vmem>>, %arg2: memref<2048x128xf32, #tpu.memory_space<vmem>>, %arg3: memref<2048x1xi32, #tpu.memory_space<vmem>>, %arg4: memref<2048x1xi32, #tpu.memory_space<vmem>>, %arg5: memref<128x64xbf16, #tpu.memory_space<vmem>>, %arg6: memref<128x64xbf16, #tpu.memory_space<vmem>>, %arg7: memref<1x64xf32, #tpu.memory_space<vmem>>, %arg8: memref<64x32xbf16, #tpu.memory_space<vmem>>, %arg9: memref<1x32xf32, #tpu.memory_space<vmem>>, %arg10: memref<32x16xbf16, #tpu.memory_space<vmem>>, %arg11: memref<1x16xf32, #tpu.memory_space<vmem>>, %arg12: memref<1x16xf32, #tpu.memory_space<vmem>>, %arg13: memref<1x1xf32, #tpu.memory_space<vmem>>, %arg14: memref<2048x1xf32, #tpu.memory_space<vmem>>) attributes {dimension_semantics = [#tpu.dimension_semantics<arbitrary>], iteration_bounds = array<i64: 8>, scalar_prefetch = 0 : i64, scratch_operands = 0 : i64, tpu.core_type = #tpu.core_type<tc>, window_params = [{transform_indices = @transform_0, window_bounds = array<i64: 2048, 128>}, {transform_indices = @transform_1, window_bounds = array<i64: 2048, 128>}, {transform_indices = @transform_2, window_bounds = array<i64: 2048, 1>}, {transform_indices = @transform_3, window_bounds = array<i64: 2048, 1>}, {pipeline_mode = #tpu.pipeline_mode<synchronous>, transform_indices = @transform_4, window_bounds = array<i64: 128, 64>}, {pipeline_mode = #tpu.pipeline_mode<synchronous>, transform_indices = @transform_5, window_bounds = array<i64: 128, 64>}, {pipeline_mode = #tpu.pipeline_mode<synchronous>, transform_indices = @transform_6, window_bounds = array<i64: 1, 64>}, {pipeline_mode = #tpu.pipeline_mode<synchronous>, transform_indices = @transform_7, window_bounds = array<i64: 64, 32>}, {pipeline_mode = #tpu.pipeline_mode<synchronous>, transform_indices = @transform_8, window_bounds = array<i64: 1, 32>}, {pipeline_mode = #tpu.pipeline_mode<synchronous>, transform_indices = @transform_9, window_bounds = array<i64: 32, 16>}, {pipeline_mode = #tpu.pipeline_mode<synchronous>, transform_indices = @transform_10, window_bounds = array<i64: 1, 16>}, {pipeline_mode = #tpu.pipeline_mode<synchronous>, transform_indices = @transform_11, window_bounds = array<i64: 1, 16>}, {pipeline_mode = #tpu.pipeline_mode<synchronous>, transform_indices = @transform_12, window_bounds = array<i64: 1, 1>}, {transform_indices = @transform_13, window_bounds = array<i64: 2048, 1>}]} {
    %get3A = arith.constant 0 : index
    %get3A_0 = arith.constant 0 : index
    %get3A_1 = vector.load %arg3[%get3A, %get3A_0] : memref<2048x1xi32, #tpu.memory_space<vmem>>, vector<2048x1xi32>
    %shift_right_arithmetic3A = arith.constant 12 : i32
    %shift_right_arithmetic3A_2 = vector.broadcast %shift_right_arithmetic3A : i32 to vector<2048x1xi32>
    %shift_right_arithmetic3A_3 = arith.shrsi %get3A_1, %shift_right_arithmetic3A_2 : vector<2048x1xi32>
    %and3A = arith.constant 3 : i32
    %and3A_4 = vector.broadcast %and3A : i32 to vector<2048x1xi32>
    %and3A_5 = arith.andi %shift_right_arithmetic3A_3, %and3A_4 : vector<2048x1xi32>
    %get3A_6 = arith.constant 0 : index
    %get3A_7 = arith.constant 0 : index
    %get3A_8 = vector.load %arg4[%get3A_6, %get3A_7] : memref<2048x1xi32, #tpu.memory_space<vmem>>, vector<2048x1xi32>
    %shift_right_arithmetic3A_9 = arith.constant 12 : i32
    %shift_right_arithmetic3A_10 = vector.broadcast %shift_right_arithmetic3A_9 : i32 to vector<2048x1xi32>
    %shift_right_arithmetic3A_11 = arith.shrsi %get3A_8, %shift_right_arithmetic3A_10 : vector<2048x1xi32>
    %and3A_12 = arith.constant 3 : i32
    %and3A_13 = vector.broadcast %and3A_12 : i32 to vector<2048x1xi32>
    %and3A_14 = arith.andi %shift_right_arithmetic3A_11, %and3A_13 : vector<2048x1xi32>
    %get3A_15 = arith.constant 0 : index
    %get3A_16 = arith.constant 0 : index
    %get3A_17 = vector.load %arg1[%get3A_15, %get3A_16] : memref<2048x128xf32, #tpu.memory_space<vmem>>, vector<2048x128xf32>
    %iota3A = tpu.iota {dimensions = array<i32: 1>} : vector<1x128xi32>
    %shift_right_arithmetic3A_18 = arith.constant 5 : i32
    %shift_right_arithmetic3A_19 = vector.broadcast %shift_right_arithmetic3A_18 : i32 to vector<1x128xi32>
    %shift_right_arithmetic3A_20 = arith.shrsi %iota3A, %shift_right_arithmetic3A_19 : vector<1x128xi32>
    %eq3A = vector.broadcast %shift_right_arithmetic3A_20 : vector<1x128xi32> to vector<2048x128xi32>
    %eq3A_21 = vector.broadcast %and3A_5 : vector<2048x1xi32> to vector<2048x128xi32>
    %eq3A_22 = arith.cmpi eq, %eq3A, %eq3A_21 : vector<2048x128xi32>
    %jit3A = arith.constant 0.000000e+00 : f32
    %broadcast_in_dim3A = vector.broadcast %jit3A : f32 to vector<2048x128xf32>
    %select_n3A = arith.select %eq3A_22, %get3A_17, %broadcast_in_dim3A : vector<2048x128xi1>, vector<2048x128xf32>
    %convert_element_type3A = arith.truncf %select_n3A : vector<2048x128xf32> to vector<2048x128xbf16>
    %get3A_23 = arith.constant 0 : index
    %get3A_24 = arith.constant 0 : index
    %get3A_25 = vector.load %arg2[%get3A_23, %get3A_24] : memref<2048x128xf32, #tpu.memory_space<vmem>>, vector<2048x128xf32>
    %iota3A_26 = tpu.iota {dimensions = array<i32: 1>} : vector<1x128xi32>
    %shift_right_arithmetic3A_27 = arith.constant 5 : i32
    %shift_right_arithmetic3A_28 = vector.broadcast %shift_right_arithmetic3A_27 : i32 to vector<1x128xi32>
    %shift_right_arithmetic3A_29 = arith.shrsi %iota3A_26, %shift_right_arithmetic3A_28 : vector<1x128xi32>
    %eq3A_30 = vector.broadcast %shift_right_arithmetic3A_29 : vector<1x128xi32> to vector<2048x128xi32>
    %eq3A_31 = vector.broadcast %and3A_14 : vector<2048x1xi32> to vector<2048x128xi32>
    %eq3A_32 = arith.cmpi eq, %eq3A_30, %eq3A_31 : vector<2048x128xi32>
    %jit3A_33 = arith.constant 0.000000e+00 : f32
    %broadcast_in_dim3A_34 = vector.broadcast %jit3A_33 : f32 to vector<2048x128xf32>
    %select_n3A_35 = arith.select %eq3A_32, %get3A_25, %broadcast_in_dim3A_34 : vector<2048x128xi1>, vector<2048x128xf32>
    %convert_element_type3A_36 = arith.truncf %select_n3A_35 : vector<2048x128xf32> to vector<2048x128xbf16>
    %get3A_37 = arith.constant 0 : index
    %get3A_38 = arith.constant 0 : index
    %get3A_39 = vector.load %arg5[%get3A_37, %get3A_38] : memref<128x64xbf16, #tpu.memory_space<vmem>>, vector<128x64xbf16>
    %dot_general3A = arith.constant dense<0.000000e+00> : vector<2048x64xf32>
    %dot_general3A_40 = tpu.matmul %convert_element_type3A, %get3A_39, %dot_general3A {dimension_numbers = #tpu.dot_dimension_numbers<[1], [0], [0], [1], [0, 0, 1, 1], [], []>, transpose_lhs_hint = false} : vector<2048x128xbf16>, vector<128x64xbf16>, vector<2048x64xf32> -> vector<2048x64xf32>
    %get3A_41 = arith.constant 0 : index
    %get3A_42 = arith.constant 0 : index
    %get3A_43 = vector.load %arg6[%get3A_41, %get3A_42] : memref<128x64xbf16, #tpu.memory_space<vmem>>, vector<128x64xbf16>
    %dot_general3A_44 = arith.constant dense<0.000000e+00> : vector<2048x64xf32>
    %dot_general3A_45 = tpu.matmul %convert_element_type3A_36, %get3A_43, %dot_general3A_44 {dimension_numbers = #tpu.dot_dimension_numbers<[1], [0], [0], [1], [0, 0, 1, 1], [], []>, transpose_lhs_hint = false} : vector<2048x128xbf16>, vector<128x64xbf16>, vector<2048x64xf32> -> vector<2048x64xf32>
    %add3A = arith.addf %dot_general3A_40, %dot_general3A_45 : vector<2048x64xf32>
    %get3A_46 = arith.constant 0 : index
    %get3A_47 = arith.constant 0 : index
    %get3A_48 = vector.load %arg7[%get3A_46, %get3A_47] : memref<1x64xf32, #tpu.memory_space<vmem>>, vector<1x64xf32>
    %add3A_49 = vector.broadcast %get3A_48 : vector<1x64xf32> to vector<2048x64xf32>
    %add3A_50 = arith.addf %add3A, %add3A_49 : vector<2048x64xf32>
    %max3A = arith.constant 0.000000e+00 : f32
    %max3A_51 = vector.broadcast %max3A : f32 to vector<2048x64xf32>
    %max3A_52 = arith.maximumf %add3A_50, %max3A_51 : vector<2048x64xf32>
    %convert_element_type3A_53 = arith.truncf %max3A_52 : vector<2048x64xf32> to vector<2048x64xbf16>
    %get3A_54 = arith.constant 0 : index
    %get3A_55 = arith.constant 0 : index
    %get3A_56 = vector.load %arg8[%get3A_54, %get3A_55] : memref<64x32xbf16, #tpu.memory_space<vmem>>, vector<64x32xbf16>
    %dot_general3A_57 = arith.constant dense<0.000000e+00> : vector<2048x32xf32>
    %dot_general3A_58 = tpu.matmul %convert_element_type3A_53, %get3A_56, %dot_general3A_57 {dimension_numbers = #tpu.dot_dimension_numbers<[1], [0], [0], [1], [0, 0, 1, 1], [], []>, transpose_lhs_hint = false} : vector<2048x64xbf16>, vector<64x32xbf16>, vector<2048x32xf32> -> vector<2048x32xf32>
    %get3A_59 = arith.constant 0 : index
    %get3A_60 = arith.constant 0 : index
    %get3A_61 = vector.load %arg9[%get3A_59, %get3A_60] : memref<1x32xf32, #tpu.memory_space<vmem>>, vector<1x32xf32>
    %add3A_62 = vector.broadcast %get3A_61 : vector<1x32xf32> to vector<2048x32xf32>
    %add3A_63 = arith.addf %dot_general3A_58, %add3A_62 : vector<2048x32xf32>
    %max3A_64 = arith.constant 0.000000e+00 : f32
    %max3A_65 = vector.broadcast %max3A_64 : f32 to vector<2048x32xf32>
    %max3A_66 = arith.maximumf %add3A_63, %max3A_65 : vector<2048x32xf32>
    %convert_element_type3A_67 = arith.truncf %max3A_66 : vector<2048x32xf32> to vector<2048x32xbf16>
    %get3A_68 = arith.constant 0 : index
    %get3A_69 = arith.constant 0 : index
    %get3A_70 = vector.load %arg10[%get3A_68, %get3A_69] : memref<32x16xbf16, #tpu.memory_space<vmem>>, vector<32x16xbf16>
    %dot_general3A_71 = arith.constant dense<0.000000e+00> : vector<2048x16xf32>
    %dot_general3A_72 = tpu.matmul %convert_element_type3A_67, %get3A_70, %dot_general3A_71 {dimension_numbers = #tpu.dot_dimension_numbers<[1], [0], [0], [1], [0, 0, 1, 1], [], []>, transpose_lhs_hint = false} : vector<2048x32xbf16>, vector<32x16xbf16>, vector<2048x16xf32> -> vector<2048x16xf32>
    %get3A_73 = arith.constant 0 : index
    %get3A_74 = arith.constant 0 : index
    %get3A_75 = vector.load %arg11[%get3A_73, %get3A_74] : memref<1x16xf32, #tpu.memory_space<vmem>>, vector<1x16xf32>
    %add3A_76 = vector.broadcast %get3A_75 : vector<1x16xf32> to vector<2048x16xf32>
    %add3A_77 = arith.addf %dot_general3A_72, %add3A_76 : vector<2048x16xf32>
    %max3A_78 = arith.constant 0.000000e+00 : f32
    %max3A_79 = vector.broadcast %max3A_78 : f32 to vector<2048x16xf32>
    %max3A_80 = arith.maximumf %add3A_77, %max3A_79 : vector<2048x16xf32>
    %get3A_81 = arith.constant 0 : index
    %get3A_82 = arith.constant 0 : index
    %get3A_83 = vector.load %arg12[%get3A_81, %get3A_82] : memref<1x16xf32, #tpu.memory_space<vmem>>, vector<1x16xf32>
    %mul3A = vector.broadcast %get3A_83 : vector<1x16xf32> to vector<2048x16xf32>
    %mul3A_84 = arith.mulf %max3A_80, %mul3A : vector<2048x16xf32>
    %reduce_sum3A = arith.constant dense<0.000000e+00> : vector<2048xf32>
    %reduce_sum3A_85 = vector.multi_reduction <add>, %mul3A_84, %reduce_sum3A [1] : vector<2048x16xf32> to vector<2048xf32>
    %broadcast_in_dim3A_86 = vector.shape_cast %reduce_sum3A_85 : vector<2048xf32> to vector<2048x1xf32>
    %get3A_87 = arith.constant 0 : index
    %get3A_88 = arith.constant 0 : index
    %get3A_89 = vector.load %arg13[%get3A_87, %get3A_88] : memref<1x1xf32, #tpu.memory_space<vmem>>, vector<1x1xf32>
    %add3A_90 = vector.broadcast %get3A_89 : vector<1x1xf32> to vector<2048x1xf32>
    %add3A_91 = arith.addf %broadcast_in_dim3A_86, %add3A_90 : vector<2048x1xf32>
    %logistic3A = arith.negf %add3A_91 : vector<2048x1xf32>
    %logistic3A_92 = math.exp %logistic3A : vector<2048x1xf32>
    %logistic3A_93 = arith.constant 1.000000e+00 : f32
    %logistic3A_94 = vector.broadcast %logistic3A_93 : f32 to vector<2048x1xf32>
    %logistic3A_95 = arith.addf %logistic3A_94, %logistic3A_92 : vector<2048x1xf32>
    %logistic3A_96 = arith.divf %logistic3A_94, %logistic3A_95 : vector<2048x1xf32>
    %swap3A = arith.constant 0 : index
    %swap3A_97 = arith.constant 0 : index
    %swap3A_98 = vector.load %arg14[%swap3A, %swap3A_97] : memref<2048x1xf32, #tpu.memory_space<vmem>>, vector<2048x1xf32>
    tpu.vector_store %arg14[%swap3A, %swap3A_97], %logistic3A_96 {strides = array<i32>} : memref<2048x1xf32, #tpu.memory_space<vmem>>, vector<2048x1xf32>,
    return
  }
  func.func @transform_0(%arg0: i32) -> (i32, i32) {
    %c0_i32 = arith.constant 0 : i32
    %c0_i32_0 = arith.constant 0 : i32
    return %arg0, %c0_i32 : i32, i32
  }
  func.func @transform_1(%arg0: i32) -> (i32, i32) {
    %c0_i32 = arith.constant 0 : i32
    %c0_i32_0 = arith.constant 0 : i32
    return %arg0, %c0_i32 : i32, i32
  }
  func.func @transform_2(%arg0: i32) -> (i32, i32) {
    %c0_i32 = arith.constant 0 : i32
    %c0_i32_0 = arith.constant 0 : i32
    return %arg0, %c0_i32 : i32, i32
  }
  func.func @transform_3(%arg0: i32) -> (i32, i32) {
    %c0_i32 = arith.constant 0 : i32
    %c0_i32_0 = arith.constant 0 : i32
    return %arg0, %c0_i32 : i32, i32
  }
  func.func @transform_4(%arg0: i32) -> (i32, i32) {
    %c0_i32 = arith.constant 0 : i32
    %c0_i32_0 = arith.constant 0 : i32
    %c0_i32_1 = arith.constant 0 : i32
    return %c0_i32, %c0_i32_0 : i32, i32
  }
  func.func @transform_5(%arg0: i32) -> (i32, i32) {
    %c0_i32 = arith.constant 0 : i32
    %c0_i32_0 = arith.constant 0 : i32
    %c0_i32_1 = arith.constant 0 : i32
    return %c0_i32, %c0_i32_0 : i32, i32
  }
  func.func @transform_6(%arg0: i32) -> (i32, i32) {
    %c0_i32 = arith.constant 0 : i32
    %c0_i32_0 = arith.constant 0 : i32
    %c0_i32_1 = arith.constant 0 : i32
    return %c0_i32, %c0_i32_0 : i32, i32
  }
  func.func @transform_7(%arg0: i32) -> (i32, i32) {
    %c0_i32 = arith.constant 0 : i32
    %c0_i32_0 = arith.constant 0 : i32
    %c0_i32_1 = arith.constant 0 : i32
    return %c0_i32, %c0_i32_0 : i32, i32
  }
  func.func @transform_8(%arg0: i32) -> (i32, i32) {
    %c0_i32 = arith.constant 0 : i32
    %c0_i32_0 = arith.constant 0 : i32
    %c0_i32_1 = arith.constant 0 : i32
    return %c0_i32, %c0_i32_0 : i32, i32
  }
  func.func @transform_9(%arg0: i32) -> (i32, i32) {
    %c0_i32 = arith.constant 0 : i32
    %c0_i32_0 = arith.constant 0 : i32
    %c0_i32_1 = arith.constant 0 : i32
    return %c0_i32, %c0_i32_0 : i32, i32
  }
  func.func @transform_10(%arg0: i32) -> (i32, i32) {
    %c0_i32 = arith.constant 0 : i32
    %c0_i32_0 = arith.constant 0 : i32
    %c0_i32_1 = arith.constant 0 : i32
    return %c0_i32, %c0_i32_0 : i32, i32
  }
  func.func @transform_11(%arg0: i32) -> (i32, i32) {
    %c0_i32 = arith.constant 0 : i32
    %c0_i32_0 = arith.constant 0 : i32
    %c0_i32_1 = arith.constant 0 : i32
    return %c0_i32, %c0_i32_0 : i32, i32
  }
  func.func @transform_12(%arg0: i32) -> (i32, i32) {
    %c0_i32 = arith.constant 0 : i32
    %c0_i32_0 = arith.constant 0 : i32
    %c0_i32_1 = arith.constant 0 : i32
    return %c0_i32, %c0_i32_0 : i32, i32
  }
  func.func @transform_13(%arg0: i32) -> (i32, i32) {
    %c0_i32 = arith.constant 0 : i32
    %c0_i32_0 = arith.constant 0 : i32
    return %arg0, %c0_i32 : i32, i32
  }
}

</mosaic_0001>

<sc_bundles>
// kernel: kernel.6.cloned.1.call-start
scs
__scs_entry_jumppad:
0x0: {  	(pc) =	sbr.rel $0x88, $3  }
0x1: {  	(tag) =	ssettag $0x0;
	lr =	simm.s32 $0x1  }
0x2: {  	[smem:$0x3F95] =	sst lr;
	_ =	strace $0xD0000000  }
0x3: {  	_ = 	snop  }
0x4: {  	_ = 	snop  }
0x5: {  	_ = 	snop  }
0x6: {  	_ = 	snop  }
0x7: {  	_ = 	snop  }
__scs_overlays_trampoline_lowered:
0x8: {  	[smem:$0x3FA4] =	sst s0  }
0x9: {  	[smem:$0x3FA5] =	sst s1  }
0xa: {  	[smem:$0x3FA6] =	sst s2  }
0xb: {  	[smem:$0x3FA7] =	sst s3  }
0xc: {  	[smem:$0x3FA8] =	sst s4  }
0xd: {  	[smem:$0x3FA9] =	sst s5  }
0xe: {  	[smem:$0x3FAA] =	sst s6  }
0xf: {  	[smem:$0x3FAB] =	sst s7  }
0x10: {  	[smem:$0x3FAC] =	sst s8  }
0x11: {  	[smem:$0x3FAD] =	sst s9;
	s0 =	simm.s32 @!p0 $0x0  }
0x12: {  	s1 =	sld [smem:$0x3F93];
	s0 =	simm.s32 @p0 $0x1  }
0x13: {  	[smem:$0x3FAE] =	sst s0;
	s0 =	simm.s32 @!p1 $0x0  }
0x14: {  	s2 =	sld [smem:$0x3F92];
	s0 =	simm.s32 @p1 $0x1  }
0x15: {  	[smem:$0x3FAF] =	sst s0;
	s0 =	simm.s32 @!p2 $0x0  }
0x16: {  	s3 =	sld [smem:$0x3FDB];
	s0 =	simm.s32 @p2 $0x1  }
0x17: {  	s4 =	simm.s32 $0x1BF5;
	[smem:$0x3FB1] =	sst s0  }
0x18: {  	s0 =	sld [smem:$0x3F94];
	_ =	swait.ge [sflag:s4], $0x0  }
0x19: {  	s7 =	sld [smem:$0x3F95]  }
0x1a: {  	s8 =	sadd.s32 $0xFFFFE003, lr  }
0x1b: {  	s9 =	sadd.s32 $0xFFFFFEF7, lr;
	s5 =	simm.s32 $0xFFFFFFFF;
	p2 =	slt.u32 s8, $0xFFFFF086  }
0x1c: {  	p1 =	slt.u32 s9, $0xF7A;
	s5 =	simm.s32 @!p2 $0x0  }
0x1d: {  	s5 =	simm.s32 @p1 $0x1;
	p0 =	seq.s32 s7, s2  }
0x1e: {  	s7 =	smul.u32 @!p0 $0xF7A, s2;
	p2 =	seq.s32 @!p0 s5, $0x0  }
0x1f: {  	s9 =	smul.u32 $0xF7A, s1;
	s8 =	simm.s32 @!p0 $0x1BF5;
	p2 =	por !p2, p0  }
0x20: {  	[sflag:s8] =	ssyncset.s32 @!p0 $0xFFFFF086;
	s6 =	sadd.s32 @!p0 s3, s7;
	s7 =	simm.s32 @!p0 $0x108  }
0x21: {  	s3 =	sadd.s32 s3, s9;
	s6 =	sadd.s32 @!p0 $0x88, s6;
	s7 =	simm.s32 @p2 $0x1082  }
0x22: {  	[simem:s7], [sflag:s8] =	dma.local @!p0 [hbm:s6], $0xF7A  }
0x23: {  	s9 =	sor.u32 $0xD0000000, s2;
	s6 =	simm.s32 $0x108;
	_ =	swait.ge @!p0 [sflag:s8], $0x0  }
0x24: {  	s3 =	sadd.s32 $0x88, s3;
	s6 =	simm.s32 @!p1 $0x1082;
	[sflag:s4] =	ssyncset.s32 $0xFFFFF086  }
0x25: {  	[simem:s6], [sflag:s4] =	dma.local [hbm:s3], $0xF7A  }
0x26: {  	[smem:$0x3F95] =	sst s1;
	(tag) =	ssettag s2;
	_ =	strace s9  }
0x27: {  	s1 =	sld [smem:$0x3FA5]  }
0x28: {  	s2 =	sld [smem:$0x3FA6]  }
0x29: {  	s4 =	sld [smem:$0x3FA8]  }
0x2a: {  	p0 =	seq.s32 s5, $0x0;
	s5 =	sld [smem:$0x3FA9]  }
0x2b: {  	s6 =	sld [smem:$0x3FAA]  }
0x2c: {  	s7 =	sld [smem:$0x3FAB]  }
0x2d: {  	s3 =	simm.s32 $0x108;
	s8 =	sld [smem:$0x3FAC]  }
0x2e: {  	s3 =	simm.s32 @!p0 $0x1082;
	s9 =	sld [smem:$0x3FAD]  }
0x2f: {  	lr =	sadd.s32 s0, s3;
	s0 =	sld [smem:$0x3FA4]  }
0x30: {  	s3 =	sld [smem:$0x3FA7]  }
0x31: {  	[smem:$0x3FB0] =	sst s10  }
0x32: {  	s10 =	sld [smem:$0x3FAE];
	_ =	sdelay $0x3  }
0x33: {  	p0 =	seq.s32 s10, $0x1;
	s10 =	sld [smem:$0x3FB0];
	_ =	sdelay $0x3  }
0x34: {  	[smem:$0x3FB0] =	sst s10  }
0x35: {  	s10 =	sld [smem:$0x3FAF];
	_ =	sdelay $0x3  }
0x36: {  	p1 =	seq.s32 s10, $0x1;
	s10 =	sld [smem:$0x3FB0];
	_ =	sdelay $0x3  }
0x37: {  	[smem:$0x3FB0] =	sst s10  }
0x38: {  	s10 =	sld [smem:$0x3FB1]  }
0x39: {  	_ = 	snop;
	(pc) =	sbr.ind lr, $3  }
0x3a: {  	_ = 	snop  }
0x3b: {  	_ = 	snop  }
0x3c: {  	p2 =	seq.s32 s10, $0x1;
	s10 =	sld [smem:$0x3FB0]  }
0x3d: {  	_ =	shalt  }
0x3e: {  	_ =	shalt  }
0x3f: {  	_ =	shalt  }
0x40: {  	_ =	shalt  }
0x41: {  	_ =	shalt  }
0x42: {  	_ =	shalt  }
0x43: {  	_ =	shalt  }
0x44: {  	_ =	shalt  }
0x45: {  	_ =	shalt  }
0x46: {  	_ =	shalt  }
0x47: {  	_ =	shalt  }
0x48: {  	_ =	shalt  }
0x49: {  	_ =	shalt  }
0x4a: {  	_ =	shalt  }
0x4b: {  	_ =	shalt  }
0x4c: {  	_ =	shalt  }
0x4d: {  	_ =	shalt  }
0x4e: {  	_ =	shalt  }
0x4f: {  	_ =	shalt  }
0x50: {  	_ =	shalt  }
0x51: {  	_ =	shalt  }
0x52: {  	_ =	shalt  }
0x53: {  	_ =	shalt  }
0x54: {  	_ =	shalt  }
0x55: {  	_ =	shalt  }
0x56: {  	_ =	shalt  }
0x57: {  	_ =	shalt  }
0x58: {  	_ =	shalt  }
0x59: {  	_ =	shalt  }
0x5a: {  	_ =	shalt  }
0x5b: {  	_ =	shalt  }
0x5c: {  	_ =	shalt  }
0x5d: {  	_ =	shalt  }
0x5e: {  	_ =	shalt  }
0x5f: {  	_ =	shalt  }
0x60: {  	_ =	shalt  }
0x61: {  	_ =	shalt  }
0x62: {  	_ =	shalt  }
0x63: {  	_ =	shalt  }
0x64: {  	_ =	shalt  }
0x65: {  	_ =	shalt  }
0x66: {  	_ =	shalt  }
0x67: {  	_ =	shalt  }
0x68: {  	_ =	shalt  }
0x69: {  	_ =	shalt  }
0x6a: {  	_ =	shalt  }
0x6b: {  	_ =	shalt  }
0x6c: {  	_ =	shalt  }
0x6d: {  	_ =	shalt  }
0x6e: {  	_ =	shalt  }
0x6f: {  	_ =	shalt  }
0x70: {  	_ =	shalt  }
0x71: {  	_ =	shalt  }
0x72: {  	_ =	shalt  }
0x73: {  	_ =	shalt  }
0x74: {  	_ =	shalt  }
0x75: {  	_ =	shalt  }
0x76: {  	_ =	shalt  }
0x77: {  	_ =	shalt  }
0x78: {  	_ =	shalt  }
0x79: {  	_ =	shalt  }
0x7a: {  	_ =	shalt  }
0x7b: {  	_ =	shalt  }
0x7c: {  	_ =	shalt  }
0x7d: {  	_ =	shalt  }
0x7e: {  	_ =	shalt  }
0x7f: {  	_ =	shalt  }
0x80: {  	_ =	shalt  }
0x81: {  	_ =	shalt  }
0x82: {  	_ =	shalt  }
0x83: {  	_ =	shalt  }
0x84: {  	_ =	shalt  }
0x85: {  	_ =	shalt  }
0x86: {  	_ =	shalt  }
0x87: {  	_ =	shalt  }
.Lfunc_end0:
.L_simem_size_0:
called_computation_lowered:
.L_overlay_start_0:
0x88: {  	s2 =	sld [smem:$0x3FD9]  }
0x89: {  	s3 =	sld [smem:$0x3FFE];
	_ =	sdelay $0x1  }
0x8a: {  	s1 =	srdreg.scid  }
0x8b: {  	s0 =	sand.u32 $0x1, s1  }
0x8c: {  	s17 =	sshll.u32 s0, $0xA;
	s2 =	sadd.s32 s3, s2  }
0x8d: {  	s2 =	sadd.s32 s2, s17  }
0x8e: {  	[smem:$0x3FBC] =	sst s2  }
0x8f: {  	_ = 	snop  }
0x90: {  	s2 =	sld [smem:$0x3FC9]  }
0x91: {  	s18 =	sld [smem:$0x3FC8];
	(tm) =	ssettm $0x1  }
0x92: {  	s4 =	sld [smem:$0x3FFB];
	_ =	sdelay $0x3  }
0x93: {  	_ =	strace s4  }
0x94: {  	s4 =	sld [smem:$0x3FFC];
	_ =	sdelay $0x3  }
0x95: {  	_ =	strace s4  }
0x96: {  	s4 =	sld [smem:$0x3FFD];
	_ =	sdelay $0x3  }
0x97: {  	_ =	strace s4  }
0x98: {  	_ =	strace $0x8FFFFFFF  }
0x99: {  	s19 =	sld [smem:$0x3FDB];
	_ =	sdelay $0x1  }
0x9a: {  	s5 =	simm.s32 $_scs_section_size  }
0x9b: {  	s6 =	simm.s32 $_size__tile_overlayer_lowered;
	s7 =	simm.s32 $_tile_overlayer_lowered  }
0x9c: {  	s22 =	simm.s32 $0x1BFF;
	s21 =	sshll.u32 s7, $0x1;
	s4 =	sadd.s32 s5, s19  }
0x9d: {  	s8 =	simm.s32 $0x0;
	s20 =	sshll.u32 s6, $0x1;
	s6 =	sadd.s32 s21, s4  }
0x9e: {  	[timem:s8], [sflag:s22] =	dma.local [hbm:s6], s20  }
0x9f: {  	_ =	swait.ge [sflag:s22], s20  }
0xa0: {  	s5 =	ssub.s32 $0x0, s20;
	[sflag:s22] =	ssyncset.done $0x0  }
0xa1: {  	[sflag:s22] =	ssyncadd.s32 s5;
	_ =	sdelay $0x1  }
0xa2: {  	s23 =	simm.s32 $0x1B8B  }
0xa3: {  	_ =	swait.ge [sflag:s23], $0x1  }
0xa4: {  	[sflag:s23] =	ssyncset.done $0x0  }
0xa5: {  	s25 =	simm.s32 $0x1B8E;
	s24 =	sld [smem:$0x3FFE];
	[sflag:s23] =	ssyncadd.s32 $0xFFFFFFFF  }
0xa6: {  	s26 =	simm.s32 $execute0_lowered;
	[smem:$0x3FD2] =	sst s25  }
0xa7: {  	s6 =	sshll.u32 s26, $0x1;
	_ =	strace $0x80000046;
	[dreg:$0x1] =	wrdreg $0xFFFFFFFF  }
0xa8: {  	s28 =	simm.s32 $_size_execute0_lowered;
	s4 =	sadd.s32 s4, s6;
	[dreg:$0x0] =	wrdreg $0x0  }
0xa9: {  	s6 =	sshll.u32 s28, $0x1;
	[dreg:$0x2] =	wrdreg s4  }
0xaa: {  	[dreg:$0x3] =	wrdreg s6  }
0xab: {  	[dreg:$0x4] =	wrdreg $0xC0  }
0xac: {  	_ =	task [dreg:s8], $0x5FFFF  }
0xad: {  	[dreg:$0x1] =	wrdreg $0xFFFFFFFF  }
0xae: {  	[dreg:$0x0] =	wrdreg $0x60  }
0xaf: {  	[dreg:$0x2] =	wrdreg s2  }
0xb0: {  	[dreg:$0x3] =	wrdreg s18  }
0xb1: {  	[dreg:$0x4] =	wrdreg s24  }
0xb2: {  	[dreg:$0x5] =	wrdreg $0x9  }
0xb3: {  	_ =	task.clear_ibuf [dreg:s8], $0x6FFFF;
	_ =	strace $0x90000046  }
0xb4: {  	s29 =	simm.s32 $0x9;
	_ =	strace $0x80000048  }
0xb5: {  	_ =	swait.ge [sflag:s29], $0x1  }
0xb6: {  	[sflag:s29] =	ssyncadd.s32 $0xFFFFFFFF  }
0xb7: {  	_ =	strace $0x90000048  }
0xb8: {  	_ =	sfence  }
0xb9: {  	s30 =	sld [smem:$0x0];
	_ =	sdelay $0x2  }
0xba: {  	s31 =	sshll.u32 s1, $0xD;
	s1 =	sshrl.u32 s1, $0x2  }
0xbb: {  	s3 =	sand.u32 $0x4000, s31;
	s1 =	sadd.s32 s1, s30  }
0xbc: {  	s0 =	sor.u32 s3, s0;
	s1 =	sshll.u32 s1, $0x11  }
0xbd: {  	s0 =	sor.u32 s1, s0  }
0xbe: {  	s0 =	sadd.s32 $0x8F2B, s0  }
0xbf: {  	[sflag:s0] =	ssyncadd.remote.s32 $0x1  }
0xc0: {  	_ =	sfence.sel $0xFFFF  }
0xc1: {  	[dreg:$0x0] =	wrdreg $0xFFFFFFFF;
	(pc) =	sbr.abs _section_cstart, $3  }
0xc2: {  	[dreg:$0x1] =	wrdreg $0xFFFFFFFF  }
0xc3: {  	_ =	task.clear_ibuf [dreg:s8], $0x2FFFF;
	_ =	strace $0x9FFFFFFF  }
0xc4: {  	(tm) =	ssettm $0x7FFFFFFF  }
0xc5: {  	_ =	shalt  }
tec
execute0_lowered:
.L_overlay_start_1:
0x0: {  	(tag) =	ssettag $0x1  }
0x1: {  	s5 =	rddreg [dreg:$0x0]  }
0x2: {  	s6 =	rddreg [dreg:$0x1]  }
0x3: {  	s7 =	rddreg [dreg:$0x2]  }
0x4: {  	s0 =	rddreg [dreg:$0x3];
	s1 =	simm.s32 $0x0  }
0x5: {  	s4 =	srdreg.scid;
	s2 =	stileid.u32;
	s18 =	simm.s32 $0x80  }
0x6: {  	s19 =	simm.s32 $0x400;
	s20 =	simm.s32 $0x8400;
	s21 =	simm.s32 $0x1  }
0x7: {  	s22 =	simm.s32 $0x4400;
	s23 =	simm.s32 $0x280;
	s24 =	simm.s32 $0xC400  }
0x8: {  	s25 =	simm.s32 $0x2;
	s28 =	simm.s32 $0x300;
	s29 =	simm.s32 $0x180  }
0x9: {  	s30 =	simm.s32 $0x380;
	[smem:$0x7FF] =	sst s1;
	s3 =	sadd.s32 $0x1E00, s7  }
0xa: {  	s8 =	sand.u32 $0x1, s4;
	s4 =	sadd.s32 $0x3E1E00, s7;
	s9 =	sshll.u32 s2, $0xA  }
0xb: {  	s13 =	sadd.s32 $0x451E00, s7;
	s10 =	sshll.u32 s8, $0x9;
	s8 =	ssub.s32 $0x2, s8  }
0xc: {  	s14 =	sadd.s32 $0x491E00, s7;
	s9 =	sor.u32 s10, s9;
	s26 =	sshrl.u32 s8, $0x1  }
0xd: {  	_ =	strace $0x80000047;
	s10 =	sshrl.u32 s9, $0x3;
	s15 =	ssub.s32 s8, s26  }
0xe: {  	s12 =	sshll.u32 s9, $0x4;
	s26 =	simm.s32 $0x100;
	s5 =	sadd.s32 s5, s10  }
0xf: {  	s6 =	sadd.s32 s6, s10;
	s7 =	sadd.s32 s13, s12;
	s31 =	sor.u32 $0x800, s12  }
0x10: {  	s8 =	sadd.s32 s14, s12;
	s16 =	sor.u32 $0x1000, s12;
	s17 =	sor.u32 $0x1800, s12  }
0x11: {  	s15 =	smax.u32 s15, $0x1;
	s9 =	sadd.s32 s13, s31;
	s10 =	sadd.s32 s14, s31  }
0x12: {  	s11 =	sadd.s32 s13, s16;
	s12 =	sadd.s32 s14, s16;
	s13 =	sadd.s32 s13, s17  }
0x13: {  	s14 =	sadd.s32 s14, s17;
	s16 =	simm.s32 $0x3;
	s17 =	simm.s32 $0x200  }
.LBB2_1:
0x14: {  	[tilespmem:s1], [sflag:$0x3] =	stream.linear.gather [hbm4b:s5+s1], $0x200, $0x38;
	[tilespmem:$0x10400] =	vst v63  }
0x15: {  	_ =	swait.ge [sflag:s16], $0x200  }
0x16: {  	[sflag:s16] =	ssyncset.done $0x0  }
0x17: {  	[sflag:s16] =	ssyncadd.s32 $0xFFFFFE00  }
0x18: {  	[tilespmem:s17], [sflag:$0x3] =	stream.linear.gather [hbm4b:s6+s1], $0x200, $0x38;
	[tilespmem:$0x10400] =	vst v63  }
0x19: {  	_ =	swait.ge [sflag:s16], $0x200  }
0x1a: {  	[sflag:s16] =	ssyncset.done $0x0  }
0x1b: {  	[sflag:s16] =	ssyncadd.s32 $0xFFFFFE00  }
0x1c: {  	v0 =	vld [tilespmem:$0x0]  }
0x1d: {  	v1 =	vld [tilespmem:$0x200]  }
0x1e: {  	v2 =	vld [tilespmem:$0x10]  }
0x1f: {  	v3 =	vld [tilespmem:$0x210]  }
0x20: {  	v5 =	vld [tilespmem:$0x20]  }
0x21: {  	v7 =	vld [tilespmem:$0x220]  }
0x22: {  	v41 =	vld [tilespmem:$0x30]  }
0x23: {  	v9 =	vld [tilespmem:$0x230]  }
0x24: {  	v10 =	vld [tilespmem:$0x40]  }
0x25: {  	v46 =	vld [tilespmem:$0x240]  }
0x26: {  	v12 =	vld [tilespmem:$0x50]  }
0x27: {  	v13 =	vld [tilespmem:$0x250]  }
0x28: {  	v51 =	vld [tilespmem:$0x60]  }
0x29: {  	v15 =	vld [tilespmem:$0x260]  }
0x2a: {  	v16 =	vld [tilespmem:$0x70];
	v4 =	vshrl.u32 v0, $0x2;
	v6 =	vshrl.u32 v1, $0x2;
	v0 =	vand.u32 $0xFFF, v0  }
0x2b: {  	v56 =	vld [tilespmem:$0x270];
	v1 =	vand.u32 $0xFFF, v1;
	v40 =	vshrl.u32 v2, $0x2;
	v2 =	vand.u32 $0xFFF, v2  }
0x2c: {  	v18 =	vld [tilespmem:$0x80];
	v8 =	vshrl.u32 v3, $0x2;
	v43 =	vshrl.u32 v5, $0x2;
	v3 =	vand.u32 $0xFFF, v3  }
0x2d: {  	v19 =	vld [tilespmem:$0x280];
	v5 =	vand.u32 $0xFFF, v5;
	v45 =	vshrl.u32 v7, $0x2;
	v7 =	vand.u32 $0xFFF, v7  }
0x2e: {  	v60 =	vld [tilespmem:$0x90];
	v11 =	vshrl.u32 v41, $0x2;
	v48 =	vshrl.u32 v9, $0x2;
	v9 =	vand.u32 $0xFFF, v9  }
0x2f: {  	v21 =	vld [tilespmem:$0x290];
	v50 =	vshrl.u32 v10, $0x2;
	v10 =	vand.u32 $0xFFF, v10;
	v14 =	vshrl.u32 v46, $0x2  }
0x30: {  	v22 =	vld [tilespmem:$0xA0];
	v53 =	vshrl.u32 v12, $0x2;
	v12 =	vand.u32 $0xFFF, v12;
	v55 =	vshrl.u32 v13, $0x2  }
0x31: {  	v24 =	vld [tilespmem:$0x2A0];
	v13 =	vand.u32 $0xFFF, v13;
	v17 =	vshrl.u32 v51, $0x2;
	v58 =	vshrl.u32 v15, $0x2  }
0x32: {  	v15 =	vand.u32 $0xFFF, v15;
	v59 =	vshrl.u32 v16, $0x2;
	v16 =	vand.u32 $0xFFF, v16  }
0x33: {  	v20 =	vshrl.u32 v56, $0x2;
	v62 =	vshrl.u32 v18, $0x2;
	v18 =	vand.u32 $0xFFF, v18  }
0x34: {  	v63 =	vshrl.u32 v19, $0x2;
	v26 =	vand.u32 $0xFFF, v19;
	v27 =	vshrl.u32 v60, $0x2  }
0x35: {  	v23 =	vld [tilespmem:$0xB0];
	v29 =	vshrl.u32 v21, $0x2;
	v30 =	vand.u32 $0xFFF, v60;
	v32 =	vand.u32 $0xFFF, v21  }
0x36: {  	v36 =	vld [tilespmem:$0xC0];
	v35 =	vshrl.u32 v22, $0x2;
	v37 =	vand.u32 $0xFFF, v22;
	v38 =	vshrl.u32 v24, $0x2  }
0x37: {  	v39 =	vld [tilespmem:$0x2C0];
	v4 =	vand.u32 $0x3FFFF000, v4;
	v6 =	vand.u32 $0x3FFFF000, v6;
	v42 =	vand.u32 $0x3FFFF000, v8  }
0x38: {  	v8 =	vand.u32 $0x3FFFF000, v43;
	v47 =	vand.u32 $0x3FFFF000, v11;
	v11 =	vand.u32 $0x3FFFF000, v48  }
0x39: {  	v52 =	vand.u32 $0x3FFFF000, v14;
	v14 =	vand.u32 $0x3FFFF000, v53;
	v57 =	vand.u32 $0x3FFFF000, v17  }
0x3a: {  	v17 =	vand.u32 $0x3FFFF000, v58;
	v61 =	vand.u32 $0x3FFFF000, v20;
	v20 =	vand.u32 $0x3FFFF000, v62  }
0x3b: {  	v25 =	vand.u32 $0x3FFFF000, v63;
	v28 =	vand.u32 $0x3FFFF000, v27;
	v31 =	vand.u32 $0x3FFFF000, v29  }
0x3c: {  	v43 =	vand.u32 $0xFFF, v23;
	v48 =	vshrl.u32 v36, $0x2;
	v53 =	vand.u32 $0xFFF, v39  }
0x3d: {  	v0 =	vor.u32 v0, v4;
	v1 =	vor.u32 v1, v6;
	v4 =	vand.u32 $0x3FFFF000, v40  }
0x3e: {  	v33 =	vld [tilespmem:$0x2B0];
	v3 =	vor.u32 v3, v42;
	v44 =	vor.u32 v5, v8;
	v5 =	vand.u32 $0x3FFFF000, v45  }
0x3f: {  	v6 =	vand.u32 $0xFFF, v41;
	v49 =	vor.u32 v9, v11;
	v9 =	vand.u32 $0x3FFFF000, v50  }
0x40: {  	v8 =	vand.u32 $0xFFF, v46;
	v54 =	vor.u32 v12, v14;
	v12 =	vand.u32 $0x3FFFF000, v55  }
0x41: {  	v11 =	vand.u32 $0xFFF, v51;
	v14 =	vand.u32 $0xFFF, v56;
	v34 =	vor.u32 v32, v31;
	[tilespmem:$0x0] =	vst v0  }
0x42: {  	v40 =	vand.u32 $0x3FFFF000, v38;
	v41 =	vshrl.u32 v23, $0x2;
	v42 =	vand.u32 $0xFFF, v24;
	[tilespmem:$0x200] =	vst v1  }
0x43: {  	v45 =	vshrl.u32 v33, $0x2;
	v50 =	vand.u32 $0x3FFFF000, v48;
	v51 =	vshrl.u32 v39, $0x2;
	[tilespmem:$0x210] =	vst v3  }
0x44: {  	v2 =	vor.u32 v2, v4;
	v5 =	vor.u32 v7, v5;
	v6 =	vor.u32 v6, v47;
	[tilespmem:$0x20] =	vst v44  }
0x45: {  	v63 =	vld [tilespmem:$0x100];
	v9 =	vor.u32 v10, v9;
	v8 =	vor.u32 v8, v52;
	v12 =	vor.u32 v13, v12;
	[tilespmem:$0x230] =	vst v49  }
0x46: {  	v46 =	vld [tilespmem:$0x2D0];
	v11 =	vor.u32 v11, v57;
	v13 =	vor.u32 v15, v17;
	v15 =	vand.u32 $0x3FFFF000, v59;
	[tilespmem:$0x50] =	vst v54  }
0x47: {  	v56 =	vld [tilespmem:$0xF0];
	v14 =	vor.u32 v14, v61;
	v0 =	vor.u32 v26, v25;
	v1 =	vor.u32 v30, v28;
	[tilespmem:$0x290] =	vst v34  }
0x48: {  	v23 =	vld [tilespmem:$0x300];
	v3 =	vand.u32 $0x3FFFF000, v35;
	v4 =	vor.u32 v42, v40;
	v47 =	vand.u32 $0xFFF, v33;
	[tilespmem:$0x220] =	vst v5  }
0x49: {  	v44 =	vld [tilespmem:$0xD0];
	v52 =	vand.u32 $0xFFF, v36;
	v15 =	vor.u32 v16, v15;
	v16 =	vor.u32 v18, v20;
	[tilespmem:$0x30] =	vst v6  }
0x4a: {  	v49 =	vld [tilespmem:$0xE0];
	v3 =	vor.u32 v37, v3;
	v5 =	vand.u32 $0x3FFFF000, v41;
	[tilespmem:$0x40] =	vst v9;
	v6 =	vand.u32 $0x3FFFF000, v45  }
0x4b: {  	v54 =	vld [tilespmem:$0x2E0];
	[tilespmem:$0x240] =	vst v8;
	v9 =	vand.u32 $0x3FFFF000, v51;
	v8 =	vor.u32 v52, v50;
	v5 =	vor.u32 v43, v5  }
0x4c: {  	v59 =	vld [tilespmem:$0x2F0];
	[tilespmem:$0x10] =	vst v2;
	v6 =	vor.u32 v47, v6;
	v9 =	vor.u32 v53, v9;
	v35 =	vshrl.u32 v63, $0x2  }
0x4d: {  	v26 =	vld [tilespmem:$0x110];
	[tilespmem:$0x250] =	vst v12;
	v38 =	vand.u32 $0xFFF, v63;
	v58 =	vshrl.u32 v46, $0x2;
	v7 =	vand.u32 $0xFFF, v46  }
0x4e: {  	v33 =	vld [tilespmem:$0x310];
	[tilespmem:$0x60] =	vst v11;
	v25 =	vshrl.u32 v56, $0x2;
	v30 =	vand.u32 $0xFFF, v56;
	v37 =	vand.u32 $0x3FFFF000, v35  }
0x4f: {  	v36 =	vld [tilespmem:$0x120];
	[tilespmem:$0x260] =	vst v13;
	v39 =	vshrl.u32 v23, $0x2;
	v43 =	vand.u32 $0xFFF, v23;
	v55 =	vshrl.u32 v44, $0x2  }
0x50: {  	v40 =	vld [tilespmem:$0x320];
	[tilespmem:$0x270] =	vst v14;
	v57 =	vand.u32 $0xFFF, v44;
	v60 =	vand.u32 $0x3FFFF000, v58;
	v61 =	vshrl.u32 v49, $0x2  }
0x51: {  	[tilespmem:$0x280] =	vst v0;
	v62 =	vand.u32 $0xFFF, v49;
	v22 =	vshrl.u32 v54, $0x2;
	v24 =	vand.u32 $0xFFF, v54  }
0x52: {  	[tilespmem:$0x90] =	vst v1;
	v28 =	vand.u32 $0x3FFFF000, v25;
	v29 =	vshrl.u32 v59, $0x2;
	v32 =	vand.u32 $0xFFF, v59  }
0x53: {  	[tilespmem:$0xA0] =	vst v3;
	v3 =	vor.u32 v38, v37;
	v41 =	vand.u32 $0x3FFFF000, v39;
	v42 =	vshrl.u32 v26, $0x2  }
0x54: {  	[tilespmem:$0x2A0] =	vst v4;
	v45 =	vld [tilespmem:$0x130];
	v44 =	vand.u32 $0xFFF, v26;
	v47 =	vshrl.u32 v33, $0x2;
	v49 =	vand.u32 $0xFFF, v33  }
0x55: {  	v51 =	vld [tilespmem:$0x140];
	[tilespmem:$0x70] =	vst v15;
	v50 =	vshrl.u32 v36, $0x2;
	v53 =	vshrl.u32 v40, $0x2;
	v54 =	vand.u32 $0xFFF, v36  }
0x56: {  	[tilespmem:$0x80] =	vst v16;
	v10 =	vand.u32 $0x3FFFF000, v55;
	v13 =	vand.u32 $0x3FFFF000, v61;
	v7 =	vor.u32 v7, v60  }
0x57: {  	[tilespmem:$0xC0] =	vst v8;
	v31 =	vand.u32 $0x3FFFF000, v29;
	v1 =	vor.u32 v30, v28;
	v12 =	vand.u32 $0x3FFFF000, v42  }
0x58: {  	v48 =	vld [tilespmem:$0x330];
	[tilespmem:$0x2B0] =	vst v6;
	v4 =	vor.u32 v43, v41;
	v6 =	vand.u32 $0x3FFFF000, v47;
	v52 =	vand.u32 $0x3FFFF000, v50  }
0x59: {  	[tilespmem:$0x2C0] =	vst v9;
	v9 =	vand.u32 $0x3FFFF000, v53;
	v55 =	vand.u32 $0xFFF, v40;
	v59 =	vshrl.u32 v45, $0x2  }
0x5a: {  	[tilespmem:$0xB0] =	vst v5;
	v61 =	vand.u32 $0xFFF, v45;
	v20 =	vshrl.u32 v51, $0x2;
	v10 =	vor.u32 v57, v10  }
0x5b: {  	v63 =	vld [tilespmem:$0x350];
	[tilespmem:$0x100] =	vst v3;
	v21 =	vor.u32 v62, v13;
	v13 =	vand.u32 $0x3FFFF000, v22;
	v34 =	vor.u32 v32, v31  }
0x5c: {  	v56 =	vld [tilespmem:$0x340];
	v46 =	vor.u32 v44, v12;
	v6 =	vor.u32 v49, v6;
	[tilespmem:$0x2D0] =	vst v7;
	v57 =	vor.u32 v54, v52  }
0x5d: {  	v23 =	vld [tilespmem:$0x160];
	v58 =	vor.u32 v55, v9;
	v9 =	vand.u32 $0x3FFFF000, v59;
	v62 =	vshrl.u32 v48, $0x2;
	[tilespmem:$0xF0] =	vst v1  }
0x5e: {  	v35 =	vld [tilespmem:$0x370];
	v11 =	vand.u32 $0x3FFFF000, v20;
	v22 =	vand.u32 $0xFFF, v51;
	[tilespmem:$0x300] =	vst v4;
	v27 =	vor.u32 v24, v13  }
0x5f: {  	v26 =	vld [tilespmem:$0x360];
	[tilespmem:$0xE0] =	vst v21;
	v18 =	vor.u32 v61, v9;
	v19 =	vand.u32 $0x3FFFF000, v62;
	v21 =	vand.u32 $0xFFF, v48  }
0x60: {  	v38 =	vld [tilespmem:$0x180];
	[tilespmem:$0x2F0] =	vst v34;
	v24 =	vor.u32 v22, v11;
	v32 =	vshrl.u32 v63, $0x2;
	v34 =	vand.u32 $0xFFF, v63  }
0x61: {  	v60 =	vld [tilespmem:$0x150];
	[tilespmem:$0xD0] =	vst v10;
	v1 =	vor.u32 v21, v19;
	v25 =	vshrl.u32 v56, $0x2;
	v28 =	vand.u32 $0xFFF, v56  }
0x62: {  	[tilespmem:$0x110] =	vst v46;
	v9 =	vand.u32 $0x3FFFF000, v32;
	v37 =	vshrl.u32 v23, $0x2;
	v39 =	vand.u32 $0xFFF, v23  }
0x63: {  	v30 =	vld [tilespmem:$0x170];
	[tilespmem:$0x2E0] =	vst v27;
	v48 =	vshrl.u32 v35, $0x2;
	v51 =	vand.u32 $0xFFF, v35;
	v27 =	vand.u32 $0x3FFFF000, v25  }
0x64: {  	v41 =	vld [tilespmem:$0x380];
	[tilespmem:$0x310] =	vst v6;
	v36 =	vor.u32 v34, v9;
	v6 =	vand.u32 $0x3FFFF000, v37;
	v40 =	vshrl.u32 v26, $0x2  }
0x65: {  	v53 =	vld [tilespmem:$0x1A0];
	[tilespmem:$0x120] =	vst v57;
	v44 =	vand.u32 $0xFFF, v26;
	v50 =	vand.u32 $0x3FFFF000, v48;
	v52 =	vshrl.u32 v38, $0x2  }
0x66: {  	[tilespmem:$0x320] =	vst v58;
	v56 =	vand.u32 $0xFFF, v38;
	v29 =	vshrl.u32 v60, $0x2;
	v3 =	vor.u32 v28, v27  }
0x67: {  	v49 =	vld [tilespmem:$0x390];
	[tilespmem:$0x130] =	vst v18;
	v33 =	vand.u32 $0xFFF, v60;
	v6 =	vor.u32 v39, v6;
	v42 =	vand.u32 $0x3FFFF000, v40  }
0x68: {  	v46 =	vld [tilespmem:$0x190];
	[tilespmem:$0x140] =	vst v24;
	v43 =	vshrl.u32 v30, $0x2;
	v45 =	vand.u32 $0xFFF, v30;
	v2 =	vor.u32 v51, v50  }
0x69: {  	v58 =	vld [tilespmem:$0x3A0];
	[tilespmem:$0x330] =	vst v1;
	v54 =	vand.u32 $0x3FFFF000, v52;
	v55 =	vshrl.u32 v41, $0x2;
	v57 =	vand.u32 $0xFFF, v41  }
0x6a: {  	v61 =	vld [tilespmem:$0x1B0];
	[tilespmem:$0x350] =	vst v36;
	v16 =	vshrl.u32 v53, $0x2;
	v18 =	vand.u32 $0xFFF, v53;
	v31 =	vand.u32 $0x3FFFF000, v29  }
0x6b: {  	v13 =	vld [tilespmem:$0x3B0];
	v8 =	vand.u32 $0x3FFFF000, v43;
	v0 =	vor.u32 v44, v42;
	[tilespmem:$0x340] =	vst v3;
	v7 =	vand.u32 $0x3FFFF000, v55  }
0x6c: {  	v22 =	vld [tilespmem:$0x3C0];
	v3 =	vor.u32 v56, v54;
	[tilespmem:$0x160] =	vst v6;
	v63 =	vshrl.u32 v49, $0x2;
	v17 =	vand.u32 $0xFFF, v49  }
0x6d: {  	v6 =	vand.u32 $0x3FFFF000, v16;
	[tilespmem:$0x370] =	vst v2;
	v4 =	vor.u32 v33, v31;
	v47 =	vor.u32 v45, v8  }
0x6e: {  	v19 =	vld [tilespmem:$0x1C0];
	v59 =	vor.u32 v57, v7;
	v60 =	vshrl.u32 v46, $0x2;
	v62 =	vand.u32 $0xFFF, v46;
	[tilespmem:$0x360] =	vst v0  }
0x6f: {  	v15 =	vand.u32 $0x3FFFF000, v63;
	v20 =	vor.u32 v18, v6;
	v21 =	vshrl.u32 v58, $0x2;
	[tilespmem:$0x180] =	vst v3  }
0x70: {  	v26 =	vld [tilespmem:$0x1D0];
	v24 =	vand.u32 $0xFFF, v58;
	v25 =	vshrl.u32 v61, $0x2;
	v28 =	vshrl.u32 v13, $0x2;
	[tilespmem:$0x150] =	vst v4  }
0x71: {  	v34 =	vld [tilespmem:$0x1E0];
	v29 =	vand.u32 $0xFFF, v61;
	v30 =	vand.u32 $0xFFF, v13;
	v37 =	vshrl.u32 v22, $0x2;
	[tilespmem:$0x170] =	vst v47  }
0x72: {  	v38 =	vld [tilespmem:$0x3E0];
	v41 =	vand.u32 $0xFFF, v22;
	v5 =	vand.u32 $0x3FFFF000, v60;
	v1 =	vor.u32 v17, v15;
	[tilespmem:$0x380] =	vst v59  }
0x73: {  	v23 =	vand.u32 $0x3FFFF000, v21;
	v27 =	vand.u32 $0x3FFFF000, v25;
	v33 =	vshrl.u32 v19, $0x2;
	[tilespmem:$0x1A0] =	vst v20  }
0x74: {  	v36 =	vand.u32 $0xFFF, v19;
	v39 =	vand.u32 $0x3FFFF000, v37;
	v14 =	vor.u32 v62, v5;
	[tilespmem:$0x390] =	vst v1  }
0x75: {  	v3 =	vor.u32 v24, v23;
	v5 =	vand.u32 $0x3FFFF000, v28;
	v0 =	vor.u32 v29, v27;
	[tilespmem:$0x190] =	vst v14  }
0x76: {  	v43 =	vld [tilespmem:$0x1F0];
	v35 =	vand.u32 $0x3FFFF000, v33;
	v40 =	vshrl.u32 v26, $0x2;
	v42 =	vand.u32 $0xFFF, v26;
	[tilespmem:$0x3A0] =	vst v3  }
0x77: {  	v31 =	vld [tilespmem:$0x3D0];
	v49 =	vshrl.u32 v34, $0x2;
	v52 =	vshrl.u32 v38, $0x2;
	v32 =	vor.u32 v30, v5;
	[tilespmem:$0x1B0] =	vst v0  }
0x78: {  	v46 =	vld [tilespmem:$0x3F0];
	v53 =	vand.u32 $0xFFF, v34;
	v54 =	vand.u32 $0xFFF, v38;
	v2 =	vor.u32 v36, v35;
	[tilespmem:$0x3B0] =	vst v32  }
0x79: {  	v4 =	vand.u32 $0x3FFFF000, v40;
	v0 =	vor.u32 v41, v39;
	v51 =	vand.u32 $0x3FFFF000, v49;
	[tilespmem:$0x1C0] =	vst v2  }
0x7a: {  	v3 =	vand.u32 $0x3FFFF000, v52;
	v44 =	vor.u32 v42, v4;
	[tilespmem:$0x3C0] =	vst v0;
	v55 =	vor.u32 v53, v51  }
0x7b: {  	v56 =	vor.u32 v54, v3;
	v57 =	vshrl.u32 v43, $0x2;
	v59 =	vand.u32 $0xFFF, v43;
	[tilespmem:$0x1D0] =	vst v44  }
0x7c: {  	v45 =	vshrl.u32 v31, $0x2;
	v48 =	vand.u32 $0xFFF, v31;
	[tilespmem:$0x1E0] =	vst v55;
	v58 =	vand.u32 $0x3FFFF000, v57  }
0x7d: {  	v60 =	vshrl.u32 v46, $0x2;
	[tilespmem:$0x3E0] =	vst v56;
	v47 =	vand.u32 $0x3FFFF000, v45;
	v0 =	vor.u32 v59, v58  }
0x7e: {  	v62 =	vand.u32 $0xFFF, v46;
	v61 =	vand.u32 $0x3FFFF000, v60;
	v50 =	vor.u32 v48, v47;
	[tilespmem:$0x1F0] =	vst v0  }
0x7f: {  	v63 =	vor.u32 v62, v61;
	[tilespmem:$0x3D0] =	vst v50  }
0x80: {  	[tilespmem:$0x3F0] =	vst v63  }
0x81: {  	[tilespmem:s19], [sflag:$0x1] =	stream.indirect.gather [hbm4b:s3+s18], $0x80, s1, s18, $0xb8;
	[tilespmem:$0x10400] =	vst v63  }
0x82: {  	_ = 	snop  }
0x83: {  	[tilespmem:s20], [sflag:$0x1] =	stream.indirect.gather [hbm4b:s4+s18], $0x80, s17, s18, $0xb8;
	[tilespmem:$0x10400] =	vst v63  }
0x84: {  	_ =	swait.ge [sflag:s21], $0x4000  }
0x85: {  	[sflag:s21] =	ssyncset.done $0x0  }
0x86: {  	[sflag:s21] =	ssyncadd.s32 $0xFFFFC000  }
0x87: {  	_ =	swait.ge [sflag:s21], $0x4000  }
0x88: {  	[sflag:s21] =	ssyncset.done $0x0  }
0x89: {  	[sflag:s21] =	ssyncadd.s32 $0xFFFFC000  }
0x8a: {  	[hbm4b:s7+s1] =	stream.linear.scatter [tilespmem:s19], [sflag:$0x2], $0x4000, $0x38;
	[tilespmem:$0x10400] =	vst v63  }
0x8b: {  	_ = 	snop  }
0x8c: {  	[hbm4b:s8+s1] =	stream.linear.scatter [tilespmem:s20], [sflag:$0x2], $0x4000, $0x38;
	[tilespmem:$0x10400] =	vst v63  }
0x8d: {  	_ = 	snop  }
0x8e: {  	[tilespmem:s22], [sflag:$0x1] =	stream.indirect.gather [hbm4b:s3+s18], $0x80, s18, s18, $0xb8;
	[tilespmem:$0x10400] =	vst v63  }
0x8f: {  	_ = 	snop  }
0x90: {  	[tilespmem:s24], [sflag:$0x1] =	stream.indirect.gather [hbm4b:s4+s18], $0x80, s23, s18, $0xb8;
	[tilespmem:$0x10400] =	vst v63  }
0x91: {  	_ =	swait.ge [sflag:s21], $0x4000  }
0x92: {  	[sflag:s21] =	ssyncset.done $0x0  }
0x93: {  	[sflag:s21] =	ssyncadd.s32 $0xFFFFC000  }
0x94: {  	_ =	swait.ge [sflag:s21], $0x4000  }
0x95: {  	[sflag:s21] =	ssyncset.done $0x0  }
0x96: {  	[sflag:s21] =	ssyncadd.s32 $0xFFFFC000  }
0x97: {  	[hbm4b:s9+s1] =	stream.linear.scatter [tilespmem:s22], [sflag:$0x2], $0x4000, $0x38;
	[tilespmem:$0x10400] =	vst v63  }
0x98: {  	_ = 	snop  }
0x99: {  	[hbm4b:s10+s1] =	stream.linear.scatter [tilespmem:s24], [sflag:$0x2], $0x4000, $0x38;
	[tilespmem:$0x10400] =	vst v63  }
0x9a: {  	_ =	swait.ge [sflag:s25], $0x4000  }
0x9b: {  	[sflag:s25] =	ssyncset.done $0x0  }
0x9c: {  	[sflag:s25] =	ssyncadd.s32 $0xFFFFC000  }
0x9d: {  	_ =	swait.ge [sflag:s25], $0x4000  }
0x9e: {  	[sflag:s25] =	ssyncset.done $0x0  }
0x9f: {  	[sflag:s25] =	ssyncadd.s32 $0xFFFFC000  }
0xa0: {  	[tilespmem:s19], [sflag:$0x1] =	stream.indirect.gather [hbm4b:s3+s18], $0x80, s26, s18, $0xb8;
	[tilespmem:$0x10400] =	vst v63  }
0xa1: {  	_ = 	snop  }
0xa2: {  	[tilespmem:s20], [sflag:$0x1] =	stream.indirect.gather [hbm4b:s4+s18], $0x80, s28, s18, $0xb8;
	[tilespmem:$0x10400] =	vst v63  }
0xa3: {  	_ =	swait.ge [sflag:s21], $0x4000  }
0xa4: {  	[sflag:s21] =	ssyncset.done $0x0  }
0xa5: {  	[sflag:s21] =	ssyncadd.s32 $0xFFFFC000  }
0xa6: {  	_ =	swait.ge [sflag:s21], $0x4000  }
0xa7: {  	[sflag:s21] =	ssyncset.done $0x0  }
0xa8: {  	[sflag:s21] =	ssyncadd.s32 $0xFFFFC000  }
0xa9: {  	[hbm4b:s11+s1] =	stream.linear.scatter [tilespmem:s19], [sflag:$0x2], $0x4000, $0x38;
	[tilespmem:$0x10400] =	vst v63  }
0xaa: {  	_ = 	snop  }
0xab: {  	[hbm4b:s12+s1] =	stream.linear.scatter [tilespmem:s20], [sflag:$0x2], $0x4000, $0x38;
	[tilespmem:$0x10400] =	vst v63  }
0xac: {  	_ =	swait.ge [sflag:s25], $0x4000  }
0xad: {  	[sflag:s25] =	ssyncset.done $0x0  }
0xae: {  	[sflag:s25] =	ssyncadd.s32 $0xFFFFC000  }
0xaf: {  	_ =	swait.ge [sflag:s25], $0x4000  }
0xb0: {  	[sflag:s25] =	ssyncset.done $0x0  }
0xb1: {  	[sflag:s25] =	ssyncadd.s32 $0xFFFFC000  }
0xb2: {  	[tilespmem:s22], [sflag:$0x1] =	stream.indirect.gather [hbm4b:s3+s18], $0x80, s29, s18, $0xb8;
	[tilespmem:$0x10400] =	vst v63  }
0xb3: {  	_ = 	snop  }
0xb4: {  	[tilespmem:s24], [sflag:$0x1] =	stream.indirect.gather [hbm4b:s4+s18], $0x80, s30, s18, $0xb8;
	[tilespmem:$0x10400] =	vst v63  }
0xb5: {  	_ =	swait.ge [sflag:s21], $0x4000  }
0xb6: {  	[sflag:s21] =	ssyncset.done $0x0  }
0xb7: {  	[sflag:s21] =	ssyncadd.s32 $0xFFFFC000  }
0xb8: {  	_ =	swait.ge [sflag:s21], $0x4000  }
0xb9: {  	[sflag:s21] =	ssyncset.done $0x0  }
0xba: {  	[sflag:s21] =	ssyncadd.s32 $0xFFFFC000  }
0xbb: {  	[hbm4b:s13+s1] =	stream.linear.scatter [tilespmem:s22], [sflag:$0x2], $0x4000, $0x38;
	[tilespmem:$0x10400] =	vst v63  }
0xbc: {  	_ = 	snop  }
0xbd: {  	[hbm4b:s14+s1] =	stream.linear.scatter [tilespmem:s24], [sflag:$0x2], $0x4000, $0x38;
	[tilespmem:$0x10400] =	vst v63  }
0xbe: {  	_ =	swait.ge [sflag:s25], $0x4000  }
0xbf: {  	[sflag:s25] =	ssyncset.done $0x0  }
0xc0: {  	[sflag:s25] =	ssyncadd.s32 $0xFFFFC000  }
0xc1: {  	_ =	swait.ge [sflag:s25], $0x4000  }
0xc2: {  	[sflag:s25] =	ssyncset.done $0x0  }
0xc3: {  	[sflag:s25] =	ssyncadd.s32 $0xFFFFC000  }
0xc4: {  	p0 =	sne.s32 s15, $0x1;
	_ =	swait.ge [sflag:s25], $0x4000  }
.Ltmp0:
0xc5: {  	[sflag:s25] =	ssyncset.done $0x0;
	(pc) =	sbr.rel @p0 .LBB2_1-.Ltmp0, $4  }
0xc6: {  	[sflag:s25] =	ssyncadd.s32 $0xFFFFC000  }
0xc7: {  	_ =	swait.ge [sflag:s25], $0x4000  }
0xc8: {  	[sflag:s25] =	ssyncset.done $0x0  }
0xc9: {  	s15 =	sadd.s32 $0xFFFFFFFF, s15;
	[sflag:s25] =	ssyncadd.s32 $0xFFFFC000  }
0xca: {  	_ =	sfence.sel $0x180000  }
0xcb: {  	[bflag:$0x0] =	sbarrier.arrive $0xFFFF  }
0xcc: {  	p0 =	sne.s32 s2, $0x0;
	_ =	strace $0x90000047  }
0xcd: {  	s0 =	sadd.s32 @!p0 $0x100000, s0;
	[bflag:$0x2] =	sbarrier.arrive $0xFFFF  }
0xce: {  	[sflag:s0] =	ssyncadd.tile.s32 @!p0 $0x1;
	_ =	shalt  }
.Lfunc_end2:
_tile_overlayer_lowered:
.L_overlay_start_2:
0xcf: {  	(tag) =	ssettag $0x2  }
0xd0: {  	s0 =	rddreg [dreg:$0x0];
	s2 =	stileid.u32  }
0xd1: {  	s1 =	rddreg [dreg:$0x1];
	p0 =	sne.s32 s2, $0x0  }
0xd2: {  	s3 =	rddreg [dreg:$0x2];
	[bflag:$0x3] =	sbarrier.arrive $0xFFFF;
	s2 =	simm.s32 @!p0 $0x1C03  }
0xd3: {  	[timem:s3], [sflag:s2] =	dma.local @!p0 [hbm:s0], s1  }
0xd4: {  	s0 =	simm.s32 @!p0 $0x3  }
0xd5: {  	_ =	swait.ge @!p0 [sflag:s0], s1  }
0xd6: {  	s1 =	ssub.s32 @!p0 $0x0, s1;
	[sflag:s0] =	ssyncset.done @!p0 $0x0  }
0xd7: {  	[sflag:s0] =	ssyncadd.s32 @!p0 s1  }
0xd8: {  	[bflag:$0x3] =	sbarrier.arrive $0xFFFF  }
0xd9: {  	_ =	shalt  }

</sc_bundles>
